<compile_context>
chip_gen: v7x
topology: tpu7x:2x2x1
jax: 0.10.2.dev20260603
libtpu: 0.0.44.dev20260713+nightly
codegen_flags: <defaults>
</compile_context>

<pallas_src>
import functools

import jax
import jax.numpy as jnp
from jax import lax
from jax.experimental import pallas as pl
from jax.experimental.pallas import tpu as pltpu
from jax.experimental.pallas import tpu_sc as plsc

NC, NS, LANES = 2, 16, 16
NW = NC * NS


def kernel(x, embedding_table, pos_table):
    B, L = x.shape
    V, D = embedding_table.shape
    BW = B // NW

    xt5 = (x.astype(jnp.int32).T
           .reshape(L // 8, 8, B // 128, 128)
           .transpose((0, 2, 1, 3)))

    mesh = plsc.VectorSubcoreMesh(
        core_axis_name="c", subcore_axis_name="s",
        num_cores=NC, num_subcores=NS,
    )

    n_dt = D // 8

    @functools.partial(
        pl.kernel,
        out_type=jax.ShapeDtypeStruct((L, n_dt, NW, 8, BW), jnp.float32),
        mesh=mesh,
        scratch_types=[
            pltpu.VMEM((L // 8, 8, BW), jnp.int32),
            pltpu.VMEM((L, D), jnp.float32),
            pltpu.VMEM((BW, D), jnp.float32),
            pltpu.VMEM((BW, D), jnp.float32),
            pltpu.VMEM((n_dt, 8, BW + 5), jnp.float32),
            pltpu.VMEM((n_dt, 8, BW + 5), jnp.float32),
            pltpu.SemaphoreType.DMA,
            pltpu.SemaphoreType.DMA,
            pltpu.SemaphoreType.DMA,
            pltpu.SemaphoreType.DMA,
        ],
        compiler_params=pltpu.CompilerParams(
            use_tc_tiling_on_sc=False, needs_layout_passes=False),
    )
    def emb_kernel(idx_hbm, table_hbm, pos_hbm, out_hbm, idx_v, pos_v,
                   g0, g1, o0, o1, gsem0, gsem1, wsem0, wsem1):
        wid = lax.axis_index("s") * NC + lax.axis_index("c")
        pltpu.sync_copy(idx_hbm.at[:, wid], idx_v)
        pltpu.sync_copy(pos_hbm, pos_v)

        gbufs = (g0, g1)
        obufs = (o0, o1)
        gsems = (gsem0, gsem1)
        wsems = (wsem0, wsem1)

        n_dc = D // LANES
        lane_d = lax.iota(jnp.int32, LANES)
        dtvecs = [(lane_d + dc * LANES) // 8 for dc in range(n_dc)]
        divecs = [(lane_d + dc * LANES) % 8 for dc in range(n_dc)]

        def start_gather(l, b):
            pltpu.async_copy(
                table_hbm.at[idx_v.at[l // 8, l % 8]], gbufs[b], gsems[b])

        def wait_gather(b):
            pltpu.make_async_copy(
                table_hbm.at[idx_v.at[0, 0]], gbufs[b], gsems[b]).wait()

        def start_wb(l, b):
            pltpu.async_copy(
                obufs[b].at[:, :, pl.ds(0, BW)],
                out_hbm.at[l, :, wid], wsems[b])

        def wait_wb(b):
            pltpu.make_async_copy(
                obufs[b].at[:, :, pl.ds(0, BW)],
                out_hbm.at[0, :, 0], wsems[b]).wait()

        def transpose_add(l, b):
            gbuf, obuf = gbufs[b], obufs[b]
            pos_chunks = [pos_v[l, pl.ds(dc * LANES, LANES)] for dc in range(n_dc)]

            @plsc.parallel_loop(0, BW, unroll=2)
            def r_body(r):
                rvec = jnp.full((LANES,), r, jnp.int32)
                for dc in range(n_dc):
                    vals = gbuf[r, pl.ds(dc * LANES, LANES)] + pos_chunks[dc]
                    plsc.store_scatter(obuf, [dtvecs[dc], divecs[dc], rvec], vals)

        start_gather(0, 0)
        start_gather(1, 1)

        def l_body(io, carry):
            for k in range(2):
                l = 2 * io + k
                b = k
                wait_gather(b)

                @pl.when(l >= 2)
                def _():
                    wait_wb(b)

                transpose_add(l, b)
                start_wb(l, b)

                @pl.when(l + 2 < L)
                def _():
                    start_gather(l + 2, b)
            return carry

        lax.fori_loop(0, L // 2, l_body, 0)
        wait_wb(0)
        wait_wb(1)

    out5 = emb_kernel(xt5, embedding_table, pos_table)
    return jnp.transpose(out5, (2, 4, 0, 1, 3)).reshape(B, L, D)

# --- scband reference (transcript-rebuilt; emitter-appended) ---
"""Pipeline reference for scband-positional-embedding-77859167142330 (READ-ONLY COPY).

The authoritative reference and input builder live on the scoring server;
editing this copy changes nothing except your own understanding.
"""

import jax, jax.numpy as jnp
import numpy as np

D_MODEL = 64
VOCAB_SIZE = 100000
MAX_SEQ_LEN = 200
BATCH = 4096
SEQ_LEN = 200


def setup_inputs(seed: int = 0) -> dict:
    key = jax.random.key(seed)
    k1, k2, k3 = jax.random.split(key, 3)
    x = jax.random.randint(k1, (BATCH, SEQ_LEN), 0, VOCAB_SIZE, dtype=jnp.int64 if jax.config.jax_enable_x64 else jnp.int32)
    embedding_table = jax.random.normal(k2, (VOCAB_SIZE, D_MODEL), dtype=jnp.float32) * 0.02
    pos_table = jax.random.normal(k3, (MAX_SEQ_LEN, D_MODEL), dtype=jnp.float32) * 0.02
    return {"x": x, "embedding_table": embedding_table, "pos_table": pos_table}


def reference(x, embedding_table, pos_table):
    # embed = self.embedding(x): gather rows from token embedding table
    length = x.shape[1]
    embed = jnp.take(embedding_table, x, axis=0)  # [B, L, D]
    # position = self.pos_encoding(tf.range(0, length)): gather rows from positional table
    positions = jnp.arange(length)
    position = jnp.take(pos_table, positions, axis=0)  # [L, D]
    # broadcast add (mask_zero=True does not alter the output values in Keras)
    return embed + position[None, :, :]

if __name__ == "__main__":
    import jax
    _d = setup_inputs()
    print(jax.jit(kernel)(*tuple(_d.values())))

</pallas_src>

<mosaic_0001>
#map = affine_map<(d0, d1) -> (0, 0, 0, 0)>
#map1 = affine_map<(d0, d1) -> (0, 0)>
#map2 = affine_map<(d0, d1) -> (0, 0, 0, 0, 0)>
module attributes {stable_mosaic.version = 14 : i64} {
  func.func @emb_kernel(%arg0: i32, %arg1: i32, %arg2: memref<25x32x8x128xi32, #tpu.memory_space<hbm>>, %arg3: memref<100000x64xf32, #tpu.memory_space<hbm>>, %arg4: memref<200x64xf32, #tpu.memory_space<hbm>>, %arg5: memref<200x8x32x8x128xf32, #tpu.memory_space<hbm>>, %arg6: memref<25x8x128xi32, #tpu.memory_space<vmem>>, %arg7: memref<200x64xf32, #tpu.memory_space<vmem>>, %arg8: memref<128x64xf32, #tpu.memory_space<vmem>>, %arg9: memref<128x64xf32, #tpu.memory_space<vmem>>, %arg10: memref<8x8x133xf32, #tpu.memory_space<vmem>>, %arg11: memref<8x8x133xf32, #tpu.memory_space<vmem>>, %arg12: memref<!tpu.dma_semaphore, #tpu.memory_space<semaphore_mem>>, %arg13: memref<!tpu.dma_semaphore, #tpu.memory_space<semaphore_mem>>, %arg14: memref<!tpu.dma_semaphore, #tpu.memory_space<semaphore_mem>>, %arg15: memref<!tpu.dma_semaphore, #tpu.memory_space<semaphore_mem>>) attributes {dimension_semantics = [#tpu.dimension_semantics<core_parallel>, #tpu.dimension_semantics<subcore_parallel>], iteration_bounds = array<i64: 2, 16>, scalar_prefetch = 0 : i64, scratch_operands = 10 : i64, tpu.core_type = #tpu.core_type<sc_vector_subcore>, window_params = [{transform_indices = #map}, {transform_indices = #map1}, {transform_indices = #map1}, {transform_indices = #map2}]} {
    %mul3A = arith.constant 2 : i32
    %mul3A_0 = arith.muli %arg1, %mul3A : i32
    %add3A = arith.addi %mul3A_0, %arg0 : i32
    "tpu.region"() ({
      %run_scoped3A = tpu.sem_alloc : memref<!tpu.dma_semaphore, #tpu.memory_space<semaphore_mem>>
      %dma_start3A_286 = arith.constant 0 : i32
      %dma_start3A_287 = arith.constant 0 : i32
      %dma_start3A_288 = arith.constant 0 : i32
      %dma_start3A_289 = tpu.memref_slice %arg2[%dma_start3A_286, %add3A, %dma_start3A_287, %dma_start3A_288] : memref<25x32x8x128xi32, #tpu.memory_space<hbm>> -> memref<25x1x8x128xi32, #tpu.memory_space<hbm>>
      %dma_start3A_290 = tpu.memref_squeeze %dma_start3A_289 : memref<25x1x8x128xi32, #tpu.memory_space<hbm>> -> memref<25x8x128xi32, #tpu.memory_space<hbm>>
      %dma_start3A_291 = arith.constant 0 : i32
      %dma_start3A_292 = arith.constant 0 : i32
      %dma_start3A_293 = arith.constant 0 : i32
      %dma_start3A_294 = tpu.memref_slice %arg2[%dma_start3A_291, %add3A, %dma_start3A_292, %dma_start3A_293] : memref<25x32x8x128xi32, #tpu.memory_space<hbm>> -> memref<25x1x8x128xi32, #tpu.memory_space<hbm>>
      %dma_start3A_295 = tpu.memref_squeeze %dma_start3A_294 : memref<25x1x8x128xi32, #tpu.memory_space<hbm>> -> memref<25x8x128xi32, #tpu.memory_space<hbm>>
      tpu.enqueue_dma source(%dma_start3A_295 : memref<25x8x128xi32, #tpu.memory_space<hbm>>) target(%arg6 : memref<25x8x128xi32, #tpu.memory_space<vmem>>) target_semaphore(%run_scoped3A : memref<!tpu.dma_semaphore, #tpu.memory_space<semaphore_mem>>)
      %dma_wait3A_296 = arith.constant 0 : i32
      %dma_wait3A_297 = arith.constant 0 : i32
      %dma_wait3A_298 = arith.constant 0 : i32
      %dma_wait3A_299 = tpu.memref_slice %arg2[%dma_wait3A_296, %add3A, %dma_wait3A_297, %dma_wait3A_298] : memref<25x32x8x128xi32, #tpu.memory_space<hbm>> -> memref<25x1x8x128xi32, #tpu.memory_space<hbm>>
      %dma_wait3A_300 = tpu.memref_squeeze %dma_wait3A_299 : memref<25x1x8x128xi32, #tpu.memory_space<hbm>> -> memref<25x8x128xi32, #tpu.memory_space<hbm>>
      %dma_wait3A_301 = arith.constant 0 : i32
      %dma_wait3A_302 = arith.constant 0 : i32
      %dma_wait3A_303 = arith.constant 0 : i32
      %dma_wait3A_304 = tpu.memref_slice %arg2[%dma_wait3A_301, %add3A, %dma_wait3A_302, %dma_wait3A_303] : memref<25x32x8x128xi32, #tpu.memory_space<hbm>> -> memref<25x1x8x128xi32, #tpu.memory_space<hbm>>
      %dma_wait3A_305 = tpu.memref_squeeze %dma_wait3A_304 : memref<25x1x8x128xi32, #tpu.memory_space<hbm>> -> memref<25x8x128xi32, #tpu.memory_space<hbm>>
      tpu.wait_dma2 semaphore(%run_scoped3A : memref<!tpu.dma_semaphore, #tpu.memory_space<semaphore_mem>>) src(%dma_wait3A_305 : memref<25x8x128xi32, #tpu.memory_space<hbm>>) dst(%arg6 : memref<25x8x128xi32, #tpu.memory_space<vmem>>)
      tpu.yield
    }) : () -> ()
    "tpu.region"() ({
      %run_scoped3A = tpu.sem_alloc : memref<!tpu.dma_semaphore, #tpu.memory_space<semaphore_mem>>
      tpu.enqueue_dma source(%arg4 : memref<200x64xf32, #tpu.memory_space<hbm>>) target(%arg7 : memref<200x64xf32, #tpu.memory_space<vmem>>) target_semaphore(%run_scoped3A : memref<!tpu.dma_semaphore, #tpu.memory_space<semaphore_mem>>)
      tpu.wait_dma2 semaphore(%run_scoped3A : memref<!tpu.dma_semaphore, #tpu.memory_space<semaphore_mem>>) src(%arg4 : memref<200x64xf32, #tpu.memory_space<hbm>>) dst(%arg7 : memref<200x64xf32, #tpu.memory_space<vmem>>)
      tpu.yield
    }) : () -> ()
    %iota3A = tpu.iota {dimensions = array<i32: 0>} : vector<16xi32>
    %add3A_1 = arith.constant 0 : i32
    %add3A_2 = vector.broadcast %add3A_1 : i32 to vector<16xi32>
    %add3A_3 = arith.addi %iota3A, %add3A_2 : vector<16xi32>
    %jit3A = arith.constant 8 : i32
    %div3A = vector.broadcast %jit3A : i32 to vector<16xi32>
    %div3A_4 = arith.divsi %add3A_3, %div3A : vector<16xi32>
    %sign3A = arith.constant 0 : i32
    %sign3A_5 = vector.broadcast %sign3A : i32 to vector<16xi32>
    %sign3A_6 = arith.cmpi sgt, %add3A_3, %sign3A_5 : vector<16xi32>
    %sign3A_7 = arith.extui %sign3A_6 : vector<16xi1> to vector<16xi32>
    %sign3A_8 = arith.constant 0 : i32
    %sign3A_9 = vector.broadcast %sign3A_8 : i32 to vector<16xi32>
    %sign3A_10 = arith.cmpi slt, %add3A_3, %sign3A_9 : vector<16xi32>
    %sign3A_11 = arith.extui %sign3A_10 : vector<16xi1> to vector<16xi32>
    %sign3A_12 = arith.subi %sign3A_7, %sign3A_11 : vector<16xi32>
    %sign3A_13 = arith.constant 0 : i32
    %sign3A_14 = arith.cmpi sgt, %jit3A, %sign3A_13 : i32
    %sign3A_15 = arith.extui %sign3A_14 : i1 to i32
    %sign3A_16 = arith.constant 0 : i32
    %sign3A_17 = arith.cmpi slt, %jit3A, %sign3A_16 : i32
    %sign3A_18 = arith.extui %sign3A_17 : i1 to i32
    %sign3A_19 = arith.subi %sign3A_15, %sign3A_18 : i32
    %ne3A = vector.broadcast %sign3A_19 : i32 to vector<16xi32>
    %ne3A_20 = arith.cmpi ne, %sign3A_12, %ne3A : vector<16xi32>
    %rem3A = vector.broadcast %jit3A : i32 to vector<16xi32>
    %rem3A_21 = arith.remsi %add3A_3, %rem3A : vector<16xi32>
    %ne3A_22 = arith.constant 0 : i32
    %ne3A_23 = vector.broadcast %ne3A_22 : i32 to vector<16xi32>
    %ne3A_24 = arith.cmpi ne, %rem3A_21, %ne3A_23 : vector<16xi32>
    %and3A = arith.andi %ne3A_20, %ne3A_24 : vector<16xi1>
    %sub3A = arith.constant 1 : i32
    %sub3A_25 = vector.broadcast %sub3A : i32 to vector<16xi32>
    %sub3A_26 = arith.subi %div3A_4, %sub3A_25 : vector<16xi32>
    %select_n3A = arith.select %and3A, %sub3A_26, %div3A_4 : vector<16xi1>, vector<16xi32>
    %add3A_27 = arith.constant 16 : i32
    %add3A_28 = vector.broadcast %add3A_27 : i32 to vector<16xi32>
    %add3A_29 = arith.addi %iota3A, %add3A_28 : vector<16xi32>
    %jit3A_30 = arith.constant 8 : i32
    %div3A_31 = vector.broadcast %jit3A_30 : i32 to vector<16xi32>
    %div3A_32 = arith.divsi %add3A_29, %div3A_31 : vector<16xi32>
    %sign3A_33 = arith.constant 0 : i32
    %sign3A_34 = vector.broadcast %sign3A_33 : i32 to vector<16xi32>
    %sign3A_35 = arith.cmpi sgt, %add3A_29, %sign3A_34 : vector<16xi32>
    %sign3A_36 = arith.extui %sign3A_35 : vector<16xi1> to vector<16xi32>
    %sign3A_37 = arith.constant 0 : i32
    %sign3A_38 = vector.broadcast %sign3A_37 : i32 to vector<16xi32>
    %sign3A_39 = arith.cmpi slt, %add3A_29, %sign3A_38 : vector<16xi32>
    %sign3A_40 = arith.extui %sign3A_39 : vector<16xi1> to vector<16xi32>
    %sign3A_41 = arith.subi %sign3A_36, %sign3A_40 : vector<16xi32>
    %sign3A_42 = arith.constant 0 : i32
    %sign3A_43 = arith.cmpi sgt, %jit3A_30, %sign3A_42 : i32
    %sign3A_44 = arith.extui %sign3A_43 : i1 to i32
    %sign3A_45 = arith.constant 0 : i32
    %sign3A_46 = arith.cmpi slt, %jit3A_30, %sign3A_45 : i32
    %sign3A_47 = arith.extui %sign3A_46 : i1 to i32
    %sign3A_48 = arith.subi %sign3A_44, %sign3A_47 : i32
    %ne3A_49 = vector.broadcast %sign3A_48 : i32 to vector<16xi32>
    %ne3A_50 = arith.cmpi ne, %sign3A_41, %ne3A_49 : vector<16xi32>
    %rem3A_51 = vector.broadcast %jit3A_30 : i32 to vector<16xi32>
    %rem3A_52 = arith.remsi %add3A_29, %rem3A_51 : vector<16xi32>
    %ne3A_53 = arith.constant 0 : i32
    %ne3A_54 = vector.broadcast %ne3A_53 : i32 to vector<16xi32>
    %ne3A_55 = arith.cmpi ne, %rem3A_52, %ne3A_54 : vector<16xi32>
    %and3A_56 = arith.andi %ne3A_50, %ne3A_55 : vector<16xi1>
    %sub3A_57 = arith.constant 1 : i32
    %sub3A_58 = vector.broadcast %sub3A_57 : i32 to vector<16xi32>
    %sub3A_59 = arith.subi %div3A_32, %sub3A_58 : vector<16xi32>
    %select_n3A_60 = arith.select %and3A_56, %sub3A_59, %div3A_32 : vector<16xi1>, vector<16xi32>
    %add3A_61 = arith.constant 32 : i32
    %add3A_62 = vector.broadcast %add3A_61 : i32 to vector<16xi32>
    %add3A_63 = arith.addi %iota3A, %add3A_62 : vector<16xi32>
    %jit3A_64 = arith.constant 8 : i32
    %div3A_65 = vector.broadcast %jit3A_64 : i32 to vector<16xi32>
    %div3A_66 = arith.divsi %add3A_63, %div3A_65 : vector<16xi32>
    %sign3A_67 = arith.constant 0 : i32
    %sign3A_68 = vector.broadcast %sign3A_67 : i32 to vector<16xi32>
    %sign3A_69 = arith.cmpi sgt, %add3A_63, %sign3A_68 : vector<16xi32>
    %sign3A_70 = arith.extui %sign3A_69 : vector<16xi1> to vector<16xi32>
    %sign3A_71 = arith.constant 0 : i32
    %sign3A_72 = vector.broadcast %sign3A_71 : i32 to vector<16xi32>
    %sign3A_73 = arith.cmpi slt, %add3A_63, %sign3A_72 : vector<16xi32>
    %sign3A_74 = arith.extui %sign3A_73 : vector<16xi1> to vector<16xi32>
    %sign3A_75 = arith.subi %sign3A_70, %sign3A_74 : vector<16xi32>
    %sign3A_76 = arith.constant 0 : i32
    %sign3A_77 = arith.cmpi sgt, %jit3A_64, %sign3A_76 : i32
    %sign3A_78 = arith.extui %sign3A_77 : i1 to i32
    %sign3A_79 = arith.constant 0 : i32
    %sign3A_80 = arith.cmpi slt, %jit3A_64, %sign3A_79 : i32
    %sign3A_81 = arith.extui %sign3A_80 : i1 to i32
    %sign3A_82 = arith.subi %sign3A_78, %sign3A_81 : i32
    %ne3A_83 = vector.broadcast %sign3A_82 : i32 to vector<16xi32>
    %ne3A_84 = arith.cmpi ne, %sign3A_75, %ne3A_83 : vector<16xi32>
    %rem3A_85 = vector.broadcast %jit3A_64 : i32 to vector<16xi32>
    %rem3A_86 = arith.remsi %add3A_63, %rem3A_85 : vector<16xi32>
    %ne3A_87 = arith.constant 0 : i32
    %ne3A_88 = vector.broadcast %ne3A_87 : i32 to vector<16xi32>
    %ne3A_89 = arith.cmpi ne, %rem3A_86, %ne3A_88 : vector<16xi32>
    %and3A_90 = arith.andi %ne3A_84, %ne3A_89 : vector<16xi1>
    %sub3A_91 = arith.constant 1 : i32
    %sub3A_92 = vector.broadcast %sub3A_91 : i32 to vector<16xi32>
    %sub3A_93 = arith.subi %div3A_66, %sub3A_92 : vector<16xi32>
    %select_n3A_94 = arith.select %and3A_90, %sub3A_93, %div3A_66 : vector<16xi1>, vector<16xi32>
    %add3A_95 = arith.constant 48 : i32
    %add3A_96 = vector.broadcast %add3A_95 : i32 to vector<16xi32>
    %add3A_97 = arith.addi %iota3A, %add3A_96 : vector<16xi32>
    %jit3A_98 = arith.constant 8 : i32
    %div3A_99 = vector.broadcast %jit3A_98 : i32 to vector<16xi32>
    %div3A_100 = arith.divsi %add3A_97, %div3A_99 : vector<16xi32>
    %sign3A_101 = arith.constant 0 : i32
    %sign3A_102 = vector.broadcast %sign3A_101 : i32 to vector<16xi32>
    %sign3A_103 = arith.cmpi sgt, %add3A_97, %sign3A_102 : vector<16xi32>
    %sign3A_104 = arith.extui %sign3A_103 : vector<16xi1> to vector<16xi32>
    %sign3A_105 = arith.constant 0 : i32
    %sign3A_106 = vector.broadcast %sign3A_105 : i32 to vector<16xi32>
    %sign3A_107 = arith.cmpi slt, %add3A_97, %sign3A_106 : vector<16xi32>
    %sign3A_108 = arith.extui %sign3A_107 : vector<16xi1> to vector<16xi32>
    %sign3A_109 = arith.subi %sign3A_104, %sign3A_108 : vector<16xi32>
    %sign3A_110 = arith.constant 0 : i32
    %sign3A_111 = arith.cmpi sgt, %jit3A_98, %sign3A_110 : i32
    %sign3A_112 = arith.extui %sign3A_111 : i1 to i32
    %sign3A_113 = arith.constant 0 : i32
    %sign3A_114 = arith.cmpi slt, %jit3A_98, %sign3A_113 : i32
    %sign3A_115 = arith.extui %sign3A_114 : i1 to i32
    %sign3A_116 = arith.subi %sign3A_112, %sign3A_115 : i32
    %ne3A_117 = vector.broadcast %sign3A_116 : i32 to vector<16xi32>
    %ne3A_118 = arith.cmpi ne, %sign3A_109, %ne3A_117 : vector<16xi32>
    %rem3A_119 = vector.broadcast %jit3A_98 : i32 to vector<16xi32>
    %rem3A_120 = arith.remsi %add3A_97, %rem3A_119 : vector<16xi32>
    %ne3A_121 = arith.constant 0 : i32
    %ne3A_122 = vector.broadcast %ne3A_121 : i32 to vector<16xi32>
    %ne3A_123 = arith.cmpi ne, %rem3A_120, %ne3A_122 : vector<16xi32>
    %and3A_124 = arith.andi %ne3A_118, %ne3A_123 : vector<16xi1>
    %sub3A_125 = arith.constant 1 : i32
    %sub3A_126 = vector.broadcast %sub3A_125 : i32 to vector<16xi32>
    %sub3A_127 = arith.subi %div3A_100, %sub3A_126 : vector<16xi32>
    %select_n3A_128 = arith.select %and3A_124, %sub3A_127, %div3A_100 : vector<16xi1>, vector<16xi32>
    %add3A_129 = arith.constant 0 : i32
    %add3A_130 = vector.broadcast %add3A_129 : i32 to vector<16xi32>
    %add3A_131 = arith.addi %iota3A, %add3A_130 : vector<16xi32>
    %jit3A_132 = arith.constant 8 : i32
    %eq3A = arith.constant 0 : i32
    %eq3A_133 = arith.cmpi eq, %jit3A_132, %eq3A : i32
    %jit3A_134 = arith.constant 1 : i32
    %select_n3A_135 = arith.select %eq3A_133, %jit3A_134, %jit3A_132 : i32
    %rem3A_136 = vector.broadcast %select_n3A_135 : i32 to vector<16xi32>
    %rem3A_137 = arith.remsi %add3A_131, %rem3A_136 : vector<16xi32>
    %ne3A_138 = arith.constant 0 : i32
    %ne3A_139 = vector.broadcast %ne3A_138 : i32 to vector<16xi32>
    %ne3A_140 = arith.cmpi ne, %rem3A_137, %ne3A_139 : vector<16xi32>
    %lt3A = arith.constant 0 : i32
    %lt3A_141 = vector.broadcast %lt3A : i32 to vector<16xi32>
    %lt3A_142 = arith.cmpi slt, %rem3A_137, %lt3A_141 : vector<16xi32>
    %lt3A_143 = arith.constant 0 : i32
    %lt3A_144 = arith.cmpi slt, %select_n3A_135, %lt3A_143 : i32
    %ne3A_145 = vector.broadcast %lt3A_144 : i1 to vector<16xi1>
    %ne3A_146 = vector.broadcast %ne3A_145 : vector<16xi1> to vector<16xi1>
    %ne3A_147 = arith.xori %lt3A_142, %ne3A_146 : vector<16xi1>
    %and3A_148 = arith.andi %ne3A_147, %ne3A_140 : vector<16xi1>
    %add3A_149 = vector.broadcast %select_n3A_135 : i32 to vector<16xi32>
    %add3A_150 = arith.addi %rem3A_137, %add3A_149 : vector<16xi32>
    %select_n3A_151 = arith.select %and3A_148, %add3A_150, %rem3A_137 : vector<16xi1>, vector<16xi32>
    %add3A_152 = arith.constant 16 : i32
    %add3A_153 = vector.broadcast %add3A_152 : i32 to vector<16xi32>
    %add3A_154 = arith.addi %iota3A, %add3A_153 : vector<16xi32>
    %jit3A_155 = arith.constant 8 : i32
    %eq3A_156 = arith.constant 0 : i32
    %eq3A_157 = arith.cmpi eq, %jit3A_155, %eq3A_156 : i32
    %jit3A_158 = arith.constant 1 : i32
    %select_n3A_159 = arith.select %eq3A_157, %jit3A_158, %jit3A_155 : i32
    %rem3A_160 = vector.broadcast %select_n3A_159 : i32 to vector<16xi32>
    %rem3A_161 = arith.remsi %add3A_154, %rem3A_160 : vector<16xi32>
    %ne3A_162 = arith.constant 0 : i32
    %ne3A_163 = vector.broadcast %ne3A_162 : i32 to vector<16xi32>
    %ne3A_164 = arith.cmpi ne, %rem3A_161, %ne3A_163 : vector<16xi32>
    %lt3A_165 = arith.constant 0 : i32
    %lt3A_166 = vector.broadcast %lt3A_165 : i32 to vector<16xi32>
    %lt3A_167 = arith.cmpi slt, %rem3A_161, %lt3A_166 : vector<16xi32>
    %lt3A_168 = arith.constant 0 : i32
    %lt3A_169 = arith.cmpi slt, %select_n3A_159, %lt3A_168 : i32
    %ne3A_170 = vector.broadcast %lt3A_169 : i1 to vector<16xi1>
    %ne3A_171 = vector.broadcast %ne3A_170 : vector<16xi1> to vector<16xi1>
    %ne3A_172 = arith.xori %lt3A_167, %ne3A_171 : vector<16xi1>
    %and3A_173 = arith.andi %ne3A_172, %ne3A_164 : vector<16xi1>
    %add3A_174 = vector.broadcast %select_n3A_159 : i32 to vector<16xi32>
    %add3A_175 = arith.addi %rem3A_161, %add3A_174 : vector<16xi32>
    %select_n3A_176 = arith.select %and3A_173, %add3A_175, %rem3A_161 : vector<16xi1>, vector<16xi32>
    %add3A_177 = arith.constant 32 : i32
    %add3A_178 = vector.broadcast %add3A_177 : i32 to vector<16xi32>
    %add3A_179 = arith.addi %iota3A, %add3A_178 : vector<16xi32>
    %jit3A_180 = arith.constant 8 : i32
    %eq3A_181 = arith.constant 0 : i32
    %eq3A_182 = arith.cmpi eq, %jit3A_180, %eq3A_181 : i32
    %jit3A_183 = arith.constant 1 : i32
    %select_n3A_184 = arith.select %eq3A_182, %jit3A_183, %jit3A_180 : i32
    %rem3A_185 = vector.broadcast %select_n3A_184 : i32 to vector<16xi32>
    %rem3A_186 = arith.remsi %add3A_179, %rem3A_185 : vector<16xi32>
    %ne3A_187 = arith.constant 0 : i32
    %ne3A_188 = vector.broadcast %ne3A_187 : i32 to vector<16xi32>
    %ne3A_189 = arith.cmpi ne, %rem3A_186, %ne3A_188 : vector<16xi32>
    %lt3A_190 = arith.constant 0 : i32
    %lt3A_191 = vector.broadcast %lt3A_190 : i32 to vector<16xi32>
    %lt3A_192 = arith.cmpi slt, %rem3A_186, %lt3A_191 : vector<16xi32>
    %lt3A_193 = arith.constant 0 : i32
    %lt3A_194 = arith.cmpi slt, %select_n3A_184, %lt3A_193 : i32
    %ne3A_195 = vector.broadcast %lt3A_194 : i1 to vector<16xi1>
    %ne3A_196 = vector.broadcast %ne3A_195 : vector<16xi1> to vector<16xi1>
    %ne3A_197 = arith.xori %lt3A_192, %ne3A_196 : vector<16xi1>
    %and3A_198 = arith.andi %ne3A_197, %ne3A_189 : vector<16xi1>
    %add3A_199 = vector.broadcast %select_n3A_184 : i32 to vector<16xi32>
    %add3A_200 = arith.addi %rem3A_186, %add3A_199 : vector<16xi32>
    %select_n3A_201 = arith.select %and3A_198, %add3A_200, %rem3A_186 : vector<16xi1>, vector<16xi32>
    %add3A_202 = arith.constant 48 : i32
    %add3A_203 = vector.broadcast %add3A_202 : i32 to vector<16xi32>
    %add3A_204 = arith.addi %iota3A, %add3A_203 : vector<16xi32>
    %jit3A_205 = arith.constant 8 : i32
    %eq3A_206 = arith.constant 0 : i32
    %eq3A_207 = arith.cmpi eq, %jit3A_205, %eq3A_206 : i32
    %jit3A_208 = arith.constant 1 : i32
    %select_n3A_209 = arith.select %eq3A_207, %jit3A_208, %jit3A_205 : i32
    %rem3A_210 = vector.broadcast %select_n3A_209 : i32 to vector<16xi32>
    %rem3A_211 = arith.remsi %add3A_204, %rem3A_210 : vector<16xi32>
    %ne3A_212 = arith.constant 0 : i32
    %ne3A_213 = vector.broadcast %ne3A_212 : i32 to vector<16xi32>
    %ne3A_214 = arith.cmpi ne, %rem3A_211, %ne3A_213 : vector<16xi32>
    %lt3A_215 = arith.constant 0 : i32
    %lt3A_216 = vector.broadcast %lt3A_215 : i32 to vector<16xi32>
    %lt3A_217 = arith.cmpi slt, %rem3A_211, %lt3A_216 : vector<16xi32>
    %lt3A_218 = arith.constant 0 : i32
    %lt3A_219 = arith.cmpi slt, %select_n3A_209, %lt3A_218 : i32
    %ne3A_220 = vector.broadcast %lt3A_219 : i1 to vector<16xi1>
    %ne3A_221 = vector.broadcast %ne3A_220 : vector<16xi1> to vector<16xi1>
    %ne3A_222 = arith.xori %lt3A_217, %ne3A_221 : vector<16xi1>
    %and3A_223 = arith.andi %ne3A_222, %ne3A_214 : vector<16xi1>
    %add3A_224 = vector.broadcast %select_n3A_209 : i32 to vector<16xi32>
    %add3A_225 = arith.addi %rem3A_211, %add3A_224 : vector<16xi32>
    %select_n3A_226 = arith.select %and3A_223, %add3A_225, %rem3A_211 : vector<16xi1>, vector<16xi32>
    %dma_start3A = arith.constant 0 : i32
    %dma_start3A_227 = arith.constant 0 : i32
    %dma_start3A_228 = arith.constant 0 : i32
    %dma_start3A_229 = tpu.memref_slice %arg6[%dma_start3A, %dma_start3A_227, %dma_start3A_228] : memref<25x8x128xi32, #tpu.memory_space<vmem>> -> memref<1x1x128xi32, #tpu.memory_space<vmem>>
    %dma_start3A_230 = tpu.memref_squeeze %dma_start3A_229 : memref<1x1x128xi32, #tpu.memory_space<vmem>> -> memref<128xi32, #tpu.memory_space<vmem>>
    %dma_start3A_231 = arith.constant 0 : i32
    %dma_start3A_232 = arith.constant 0 : i32
    %dma_start3A_233 = tpu.memref_slice %arg3[%dma_start3A_231, %dma_start3A_232] : memref<100000x64xf32, #tpu.memory_space<hbm>> -> memref<100000x64xf32, #tpu.memory_space<hbm>>
    tpu.enqueue_indirect_dma source(%dma_start3A_233 : memref<100000x64xf32, #tpu.memory_space<hbm>>) target(%arg8 : memref<128x64xf32, #tpu.memory_space<vmem>>) offsets(%dma_start3A_230 : memref<128xi32, #tpu.memory_space<vmem>>) semaphore(%arg12 : memref<!tpu.dma_semaphore, #tpu.memory_space<semaphore_mem>>)
    %dma_start3A_234 = arith.constant 0 : i32
    %dma_start3A_235 = arith.constant 1 : i32
    %dma_start3A_236 = arith.constant 0 : i32
    %dma_start3A_237 = tpu.memref_slice %arg6[%dma_start3A_234, %dma_start3A_235, %dma_start3A_236] : memref<25x8x128xi32, #tpu.memory_space<vmem>> -> memref<1x1x128xi32, #tpu.memory_space<vmem>>
    %dma_start3A_238 = tpu.memref_squeeze %dma_start3A_237 : memref<1x1x128xi32, #tpu.memory_space<vmem>> -> memref<128xi32, #tpu.memory_space<vmem>>
    %dma_start3A_239 = arith.constant 0 : i32
    %dma_start3A_240 = arith.constant 0 : i32
    %dma_start3A_241 = tpu.memref_slice %arg3[%dma_start3A_239, %dma_start3A_240] : memref<100000x64xf32, #tpu.memory_space<hbm>> -> memref<100000x64xf32, #tpu.memory_space<hbm>>
    tpu.enqueue_indirect_dma source(%dma_start3A_241 : memref<100000x64xf32, #tpu.memory_space<hbm>>) target(%arg9 : memref<128x64xf32, #tpu.memory_space<vmem>>) offsets(%dma_start3A_238 : memref<128xi32, #tpu.memory_space<vmem>>) semaphore(%arg13 : memref<!tpu.dma_semaphore, #tpu.memory_space<semaphore_mem>>)
    %scan3A = arith.constant 0 : i32
    %scan3A_242 = arith.constant 0 : i32
    %scan3A_243 = arith.constant 100 : i32
    %scan3A_244 = arith.addi %scan3A_242, %scan3A_243 : i32
    %scan3A_245 = arith.constant 1 : i32
    scf.for %scan3A_286 = %scan3A_242 to %scan3A_244 step %scan3A_245  : i32 {
      %mul3A_287 = arith.constant 2 : i32
      %mul3A_288 = arith.muli %mul3A_287, %scan3A_286 : i32
      %add3A_289 = arith.constant 0 : i32
      %add3A_290 = arith.addi %mul3A_288, %add3A_289 : i32
      %dma_wait3A_291 = arith.constant 0 : i32
      %dma_wait3A_292 = arith.constant 0 : i32
      %dma_wait3A_293 = arith.constant 0 : i32
      %dma_wait3A_294 = tpu.memref_slice %arg6[%dma_wait3A_291, %dma_wait3A_292, %dma_wait3A_293] : memref<25x8x128xi32, #tpu.memory_space<vmem>> -> memref<1x1x128xi32, #tpu.memory_space<vmem>>
      %dma_wait3A_295 = tpu.memref_squeeze %dma_wait3A_294 : memref<1x1x128xi32, #tpu.memory_space<vmem>> -> memref<128xi32, #tpu.memory_space<vmem>>
      %dma_wait3A_296 = arith.constant 0 : i32
      %dma_wait3A_297 = arith.constant 0 : i32
      %dma_wait3A_298 = tpu.memref_slice %arg3[%dma_wait3A_296, %dma_wait3A_297] : memref<100000x64xf32, #tpu.memory_space<hbm>> -> memref<100000x64xf32, #tpu.memory_space<hbm>>
      tpu.wait_indirect_dma semaphore(%arg12 : memref<!tpu.dma_semaphore, #tpu.memory_space<semaphore_mem>>) src(%dma_wait3A_298 : memref<100000x64xf32, #tpu.memory_space<hbm>>) dst(%arg8 : memref<128x64xf32, #tpu.memory_space<vmem>>)
      %ge3A = arith.constant 2 : i32
      %ge3A_299 = arith.cmpi sge, %add3A_290, %ge3A : i32
      %convert_element_type3A = arith.extui %ge3A_299 : i1 to i32
      %cond3A = arith.constant 0 : i32
      %cond3A_300 = arith.cmpi ne, %convert_element_type3A, %cond3A : i32
      scf.if %cond3A_300 {
        %dma_wait3A_396 = arith.constant 0 : i32
        %dma_wait3A_397 = arith.constant 0 : i32
        %dma_wait3A_398 = arith.constant 0 : i32
        %dma_wait3A_399 = arith.constant 0 : i32
        %dma_wait3A_400 = arith.constant 0 : i32
        %dma_wait3A_401 = tpu.memref_slice %arg10[%dma_wait3A_398, %dma_wait3A_399, %dma_wait3A_400] : memref<8x8x133xf32, #tpu.memory_space<vmem>> -> memref<8x8x128xf32, #tpu.memory_space<vmem>>
        %dma_wait3A_402 = arith.constant 0 : i32
        %dma_wait3A_403 = arith.constant 0 : i32
        %dma_wait3A_404 = arith.constant 0 : i32
        %dma_wait3A_405 = tpu.memref_slice %arg5[%dma_wait3A_396, %dma_wait3A_402, %dma_wait3A_397, %dma_wait3A_403, %dma_wait3A_404] : memref<200x8x32x8x128xf32, #tpu.memory_space<hbm>> -> memref<1x8x1x8x128xf32, #tpu.memory_space<hbm>>
        %dma_wait3A_406 = tpu.memref_squeeze %dma_wait3A_405 : memref<1x8x1x8x128xf32, #tpu.memory_space<hbm>> -> memref<8x8x128xf32, #tpu.memory_space<hbm>>
        %dma_wait3A_407 = arith.constant 0 : i32
        %dma_wait3A_408 = arith.constant 0 : i32
        %dma_wait3A_409 = arith.constant 0 : i32
        %dma_wait3A_410 = tpu.memref_slice %arg5[%dma_wait3A_396, %dma_wait3A_407, %dma_wait3A_397, %dma_wait3A_408, %dma_wait3A_409] : memref<200x8x32x8x128xf32, #tpu.memory_space<hbm>> -> memref<1x8x1x8x128xf32, #tpu.memory_space<hbm>>
        %dma_wait3A_411 = tpu.memref_squeeze %dma_wait3A_410 : memref<1x8x1x8x128xf32, #tpu.memory_space<hbm>> -> memref<8x8x128xf32, #tpu.memory_space<hbm>>
        %dma_wait3A_412 = arith.constant 0 : i32
        %dma_wait3A_413 = arith.constant 0 : i32
        %dma_wait3A_414 = arith.constant 0 : i32
        %dma_wait3A_415 = tpu.memref_slice %arg10[%dma_wait3A_412, %dma_wait3A_413, %dma_wait3A_414] : memref<8x8x133xf32, #tpu.memory_space<vmem>> -> memref<8x8x128xf32, #tpu.memory_space<vmem>>
        tpu.wait_dma2 semaphore(%arg14 : memref<!tpu.dma_semaphore, #tpu.memory_space<semaphore_mem>>) src(%dma_wait3A_415 : memref<8x8x128xf32, #tpu.memory_space<vmem>>) dst(%dma_wait3A_411 : memref<8x8x128xf32, #tpu.memory_space<hbm>>)
      } else {
      }
      %get3A = arith.index_cast %add3A_290 : i32 to index
      %get3A_301 = arith.constant 0 : index
      %get3A_302 = tpu.vector_load %arg7[%get3A, %get3A_301] {strides = array<i32>} : memref<200x64xf32, #tpu.memory_space<vmem>>, vector<16xf32>,
      %get3A_303 = arith.index_cast %add3A_290 : i32 to index
      %get3A_304 = arith.constant 16 : index
      %get3A_305 = tpu.vector_load %arg7[%get3A_303, %get3A_304] {strides = array<i32>} : memref<200x64xf32, #tpu.memory_space<vmem>>, vector<16xf32>,
      %get3A_306 = arith.index_cast %add3A_290 : i32 to index
      %get3A_307 = arith.constant 32 : index
      %get3A_308 = tpu.vector_load %arg7[%get3A_306, %get3A_307] {strides = array<i32>} : memref<200x64xf32, #tpu.memory_space<vmem>>, vector<16xf32>,
      %get3A_309 = arith.index_cast %add3A_290 : i32 to index
      %get3A_310 = arith.constant 48 : index
      %get3A_311 = tpu.vector_load %arg7[%get3A_309, %get3A_310] {strides = array<i32>} : memref<200x64xf32, #tpu.memory_space<vmem>>, vector<16xf32>,
      %parallel_loop3A = arith.constant 0 : i32
      %parallel_loop3A_312 = arith.constant 128 : i32
      %parallel_loop3A_313 = arith.constant 1 : i32
      scf.for %parallel_loop3A_396 = %parallel_loop3A to %parallel_loop3A_312 step %parallel_loop3A_313  : i32 {
        %parallel_loop3A_397 = vector.broadcast %parallel_loop3A_396 : i32 to vector<16xi32>
        %parallel_loop3A_398 = arith.index_cast %parallel_loop3A_396 : i32 to index
        %parallel_loop3A_399 = arith.constant 0 : index
        %parallel_loop3A_400 = tpu.vector_load %arg8[%parallel_loop3A_398, %parallel_loop3A_399] {strides = array<i32>} : memref<128x64xf32, #tpu.memory_space<vmem>>, vector<16xf32>,
        %parallel_loop3A_401 = arith.addf %parallel_loop3A_400, %get3A_302 : vector<16xf32>
        tpu.vector_store_idx %arg10[%select_n3A, %select_n3A_151, %parallel_loop3A_397], %parallel_loop3A_401 : memref<8x8x133xf32, #tpu.memory_space<vmem>>[vector<16xi32>, vector<16xi32>, vector<16xi32>], vector<16xf32>,
        %parallel_loop3A_402 = arith.index_cast %parallel_loop3A_396 : i32 to index
        %parallel_loop3A_403 = arith.constant 16 : index
        %parallel_loop3A_404 = tpu.vector_load %arg8[%parallel_loop3A_402, %parallel_loop3A_403] {strides = array<i32>} : memref<128x64xf32, #tpu.memory_space<vmem>>, vector<16xf32>,
        %parallel_loop3A_405 = arith.addf %parallel_loop3A_404, %get3A_305 : vector<16xf32>
        tpu.vector_store_idx %arg10[%select_n3A_60, %select_n3A_176, %parallel_loop3A_397], %parallel_loop3A_405 : memref<8x8x133xf32, #tpu.memory_space<vmem>>[vector<16xi32>, vector<16xi32>, vector<16xi32>], vector<16xf32>,
        %parallel_loop3A_406 = arith.index_cast %parallel_loop3A_396 : i32 to index
        %parallel_loop3A_407 = arith.constant 32 : index
        %parallel_loop3A_408 = tpu.vector_load %arg8[%parallel_loop3A_406, %parallel_loop3A_407] {strides = array<i32>} : memref<128x64xf32, #tpu.memory_space<vmem>>, vector<16xf32>,
        %parallel_loop3A_409 = arith.addf %parallel_loop3A_408, %get3A_308 : vector<16xf32>
        tpu.vector_store_idx %arg10[%select_n3A_94, %select_n3A_201, %parallel_loop3A_397], %parallel_loop3A_409 : memref<8x8x133xf32, #tpu.memory_space<vmem>>[vector<16xi32>, vector<16xi32>, vector<16xi32>], vector<16xf32>,
        %parallel_loop3A_410 = arith.index_cast %parallel_loop3A_396 : i32 to index
        %parallel_loop3A_411 = arith.constant 48 : index
        %parallel_loop3A_412 = tpu.vector_load %arg8[%parallel_loop3A_410, %parallel_loop3A_411] {strides = array<i32>} : memref<128x64xf32, #tpu.memory_space<vmem>>, vector<16xf32>,
        %parallel_loop3A_413 = arith.addf %parallel_loop3A_412, %get3A_311 : vector<16xf32>
        tpu.vector_store_idx %arg10[%select_n3A_128, %select_n3A_226, %parallel_loop3A_397], %parallel_loop3A_413 : memref<8x8x133xf32, #tpu.memory_space<vmem>>[vector<16xi32>, vector<16xi32>, vector<16xi32>], vector<16xf32>,
      } {sc.loop_unroll_factor = 2 : i64, sc.parallel_access}
      %dma_start3A_314 = arith.constant 0 : i32
      %dma_start3A_315 = arith.constant 0 : i32
      %dma_start3A_316 = arith.constant 0 : i32
      %dma_start3A_317 = tpu.memref_slice %arg10[%dma_start3A_314, %dma_start3A_315, %dma_start3A_316] : memref<8x8x133xf32, #tpu.memory_space<vmem>> -> memref<8x8x128xf32, #tpu.memory_space<vmem>>
      %dma_start3A_318 = arith.constant 0 : i32
      %dma_start3A_319 = arith.constant 0 : i32
      %dma_start3A_320 = arith.constant 0 : i32
      %dma_start3A_321 = tpu.memref_slice %arg5[%add3A_290, %dma_start3A_318, %add3A, %dma_start3A_319, %dma_start3A_320] : memref<200x8x32x8x128xf32, #tpu.memory_space<hbm>> -> memref<1x8x1x8x128xf32, #tpu.memory_space<hbm>>
      %dma_start3A_322 = tpu.memref_squeeze %dma_start3A_321 : memref<1x8x1x8x128xf32, #tpu.memory_space<hbm>> -> memref<8x8x128xf32, #tpu.memory_space<hbm>>
      %dma_start3A_323 = arith.constant 0 : i32
      %dma_start3A_324 = arith.constant 0 : i32
      %dma_start3A_325 = arith.constant 0 : i32
      %dma_start3A_326 = tpu.memref_slice %arg5[%add3A_290, %dma_start3A_323, %add3A, %dma_start3A_324, %dma_start3A_325] : memref<200x8x32x8x128xf32, #tpu.memory_space<hbm>> -> memref<1x8x1x8x128xf32, #tpu.memory_space<hbm>>
      %dma_start3A_327 = tpu.memref_squeeze %dma_start3A_326 : memref<1x8x1x8x128xf32, #tpu.memory_space<hbm>> -> memref<8x8x128xf32, #tpu.memory_space<hbm>>
      %dma_start3A_328 = arith.constant 0 : i32
      %dma_start3A_329 = arith.constant 0 : i32
      %dma_start3A_330 = arith.constant 0 : i32
      %dma_start3A_331 = tpu.memref_slice %arg10[%dma_start3A_328, %dma_start3A_329, %dma_start3A_330] : memref<8x8x133xf32, #tpu.memory_space<vmem>> -> memref<8x8x128xf32, #tpu.memory_space<vmem>>
      tpu.enqueue_dma source(%dma_start3A_331 : memref<8x8x128xf32, #tpu.memory_space<vmem>>) target(%dma_start3A_327 : memref<8x8x128xf32, #tpu.memory_space<hbm>>) target_semaphore(%arg14 : memref<!tpu.dma_semaphore, #tpu.memory_space<semaphore_mem>>)
      %add3A_332 = arith.constant 2 : i32
      %add3A_333 = arith.addi %add3A_290, %add3A_332 : i32
      %lt3A_334 = arith.constant 200 : i32
      %lt3A_335 = arith.cmpi slt, %add3A_333, %lt3A_334 : i32
      %convert_element_type3A_336 = arith.extui %lt3A_335 : i1 to i32
      %cond3A_337 = arith.constant 0 : i32
      %cond3A_338 = arith.cmpi ne, %convert_element_type3A_336, %cond3A_337 : i32
      scf.if %cond3A_338 {
        %add3A_396 = arith.constant 2 : i32
        %add3A_397 = arith.addi %add3A_290, %add3A_396 : i32
        %jit3A_398 = arith.constant 8 : i32
        %div3A_399 = arith.divsi %add3A_397, %jit3A_398 : i32
        %sign3A_400 = arith.constant 0 : i32
        %sign3A_401 = arith.cmpi sgt, %add3A_397, %sign3A_400 : i32
        %sign3A_402 = arith.extui %sign3A_401 : i1 to i32
        %sign3A_403 = arith.constant 0 : i32
        %sign3A_404 = arith.cmpi slt, %add3A_397, %sign3A_403 : i32
        %sign3A_405 = arith.extui %sign3A_404 : i1 to i32
        %sign3A_406 = arith.subi %sign3A_402, %sign3A_405 : i32
        %sign3A_407 = arith.constant 0 : i32
        %sign3A_408 = arith.cmpi sgt, %jit3A_398, %sign3A_407 : i32
        %sign3A_409 = arith.extui %sign3A_408 : i1 to i32
        %sign3A_410 = arith.constant 0 : i32
        %sign3A_411 = arith.cmpi slt, %jit3A_398, %sign3A_410 : i32
        %sign3A_412 = arith.extui %sign3A_411 : i1 to i32
        %sign3A_413 = arith.subi %sign3A_409, %sign3A_412 : i32
        %ne3A_414 = arith.cmpi ne, %sign3A_406, %sign3A_413 : i32
        %rem3A_415 = arith.remsi %add3A_397, %jit3A_398 : i32
        %ne3A_416 = arith.constant 0 : i32
        %ne3A_417 = arith.cmpi ne, %rem3A_415, %ne3A_416 : i32
        %and3A_418 = arith.andi %ne3A_414, %ne3A_417 : i1
        %sub3A_419 = arith.constant 1 : i32
        %sub3A_420 = arith.subi %div3A_399, %sub3A_419 : i32
        %select_n3A_421 = arith.select %and3A_418, %sub3A_420, %div3A_399 : i32
        %jit3A_422 = arith.constant 8 : i32
        %eq3A_423 = arith.constant 0 : i32
        %eq3A_424 = arith.cmpi eq, %jit3A_422, %eq3A_423 : i32
        %jit3A_425 = arith.constant 1 : i32
        %select_n3A_426 = arith.select %eq3A_424, %jit3A_425, %jit3A_422 : i32
        %rem3A_427 = arith.remsi %add3A_397, %select_n3A_426 : i32
        %ne3A_428 = arith.constant 0 : i32
        %ne3A_429 = arith.cmpi ne, %rem3A_427, %ne3A_428 : i32
        %lt3A_430 = arith.constant 0 : i32
        %lt3A_431 = arith.cmpi slt, %rem3A_427, %lt3A_430 : i32
        %lt3A_432 = arith.constant 0 : i32
        %lt3A_433 = arith.cmpi slt, %select_n3A_426, %lt3A_432 : i32
        %ne3A_434 = arith.xori %lt3A_431, %lt3A_433 : i1
        %and3A_435 = arith.andi %ne3A_434, %ne3A_429 : i1
        %add3A_436 = arith.addi %rem3A_427, %select_n3A_426 : i32
        %select_n3A_437 = arith.select %and3A_435, %add3A_436, %rem3A_427 : i32
        %dma_start3A_438 = arith.constant 0 : i32
        %dma_start3A_439 = tpu.memref_slice %arg6[%select_n3A_421, %select_n3A_437, %dma_start3A_438] : memref<25x8x128xi32, #tpu.memory_space<vmem>> -> memref<1x1x128xi32, #tpu.memory_space<vmem>>
        %dma_start3A_440 = tpu.memref_squeeze %dma_start3A_439 : memref<1x1x128xi32, #tpu.memory_space<vmem>> -> memref<128xi32, #tpu.memory_space<vmem>>
        %dma_start3A_441 = arith.constant 0 : i32
        %dma_start3A_442 = arith.constant 0 : i32
        %dma_start3A_443 = tpu.memref_slice %arg3[%dma_start3A_441, %dma_start3A_442] : memref<100000x64xf32, #tpu.memory_space<hbm>> -> memref<100000x64xf32, #tpu.memory_space<hbm>>
        tpu.enqueue_indirect_dma source(%dma_start3A_443 : memref<100000x64xf32, #tpu.memory_space<hbm>>) target(%arg8 : memref<128x64xf32, #tpu.memory_space<vmem>>) offsets(%dma_start3A_440 : memref<128xi32, #tpu.memory_space<vmem>>) semaphore(%arg12 : memref<!tpu.dma_semaphore, #tpu.memory_space<semaphore_mem>>)
      } else {
      }
      %mul3A_339 = arith.constant 2 : i32
      %mul3A_340 = arith.muli %mul3A_339, %scan3A_286 : i32
      %add3A_341 = arith.constant 1 : i32
      %add3A_342 = arith.addi %mul3A_340, %add3A_341 : i32
      %dma_wait3A_343 = arith.constant 0 : i32
      %dma_wait3A_344 = arith.constant 0 : i32
      %dma_wait3A_345 = arith.constant 0 : i32
      %dma_wait3A_346 = tpu.memref_slice %arg6[%dma_wait3A_343, %dma_wait3A_344, %dma_wait3A_345] : memref<25x8x128xi32, #tpu.memory_space<vmem>> -> memref<1x1x128xi32, #tpu.memory_space<vmem>>
      %dma_wait3A_347 = tpu.memref_squeeze %dma_wait3A_346 : memref<1x1x128xi32, #tpu.memory_space<vmem>> -> memref<128xi32, #tpu.memory_space<vmem>>
      %dma_wait3A_348 = arith.constant 0 : i32
      %dma_wait3A_349 = arith.constant 0 : i32
      %dma_wait3A_350 = tpu.memref_slice %arg3[%dma_wait3A_348, %dma_wait3A_349] : memref<100000x64xf32, #tpu.memory_space<hbm>> -> memref<100000x64xf32, #tpu.memory_space<hbm>>
      tpu.wait_indirect_dma semaphore(%arg13 : memref<!tpu.dma_semaphore, #tpu.memory_space<semaphore_mem>>) src(%dma_wait3A_350 : memref<100000x64xf32, #tpu.memory_space<hbm>>) dst(%arg9 : memref<128x64xf32, #tpu.memory_space<vmem>>)
      %ge3A_351 = arith.constant 2 : i32
      %ge3A_352 = arith.cmpi sge, %add3A_342, %ge3A_351 : i32
      %convert_element_type3A_353 = arith.extui %ge3A_352 : i1 to i32
      %cond3A_354 = arith.constant 0 : i32
      %cond3A_355 = arith.cmpi ne, %convert_element_type3A_353, %cond3A_354 : i32
      scf.if %cond3A_355 {
        %dma_wait3A_396 = arith.constant 0 : i32
        %dma_wait3A_397 = arith.constant 0 : i32
        %dma_wait3A_398 = arith.constant 0 : i32
        %dma_wait3A_399 = arith.constant 0 : i32
        %dma_wait3A_400 = arith.constant 0 : i32
        %dma_wait3A_401 = tpu.memref_slice %arg11[%dma_wait3A_398, %dma_wait3A_399, %dma_wait3A_400] : memref<8x8x133xf32, #tpu.memory_space<vmem>> -> memref<8x8x128xf32, #tpu.memory_space<vmem>>
        %dma_wait3A_402 = arith.constant 0 : i32
        %dma_wait3A_403 = arith.constant 0 : i32
        %dma_wait3A_404 = arith.constant 0 : i32
        %dma_wait3A_405 = tpu.memref_slice %arg5[%dma_wait3A_396, %dma_wait3A_402, %dma_wait3A_397, %dma_wait3A_403, %dma_wait3A_404] : memref<200x8x32x8x128xf32, #tpu.memory_space<hbm>> -> memref<1x8x1x8x128xf32, #tpu.memory_space<hbm>>
        %dma_wait3A_406 = tpu.memref_squeeze %dma_wait3A_405 : memref<1x8x1x8x128xf32, #tpu.memory_space<hbm>> -> memref<8x8x128xf32, #tpu.memory_space<hbm>>
        %dma_wait3A_407 = arith.constant 0 : i32
        %dma_wait3A_408 = arith.constant 0 : i32
        %dma_wait3A_409 = arith.constant 0 : i32
        %dma_wait3A_410 = tpu.memref_slice %arg5[%dma_wait3A_396, %dma_wait3A_407, %dma_wait3A_397, %dma_wait3A_408, %dma_wait3A_409] : memref<200x8x32x8x128xf32, #tpu.memory_space<hbm>> -> memref<1x8x1x8x128xf32, #tpu.memory_space<hbm>>
        %dma_wait3A_411 = tpu.memref_squeeze %dma_wait3A_410 : memref<1x8x1x8x128xf32, #tpu.memory_space<hbm>> -> memref<8x8x128xf32, #tpu.memory_space<hbm>>
        %dma_wait3A_412 = arith.constant 0 : i32
        %dma_wait3A_413 = arith.constant 0 : i32
        %dma_wait3A_414 = arith.constant 0 : i32
        %dma_wait3A_415 = tpu.memref_slice %arg11[%dma_wait3A_412, %dma_wait3A_413, %dma_wait3A_414] : memref<8x8x133xf32, #tpu.memory_space<vmem>> -> memref<8x8x128xf32, #tpu.memory_space<vmem>>
        tpu.wait_dma2 semaphore(%arg15 : memref<!tpu.dma_semaphore, #tpu.memory_space<semaphore_mem>>) src(%dma_wait3A_415 : memref<8x8x128xf32, #tpu.memory_space<vmem>>) dst(%dma_wait3A_411 : memref<8x8x128xf32, #tpu.memory_space<hbm>>)
      } else {
      }
      %get3A_356 = arith.index_cast %add3A_342 : i32 to index
      %get3A_357 = arith.constant 0 : index
      %get3A_358 = tpu.vector_load %arg7[%get3A_356, %get3A_357] {strides = array<i32>} : memref<200x64xf32, #tpu.memory_space<vmem>>, vector<16xf32>,
      %get3A_359 = arith.index_cast %add3A_342 : i32 to index
      %get3A_360 = arith.constant 16 : index
      %get3A_361 = tpu.vector_load %arg7[%get3A_359, %get3A_360] {strides = array<i32>} : memref<200x64xf32, #tpu.memory_space<vmem>>, vector<16xf32>,
      %get3A_362 = arith.index_cast %add3A_342 : i32 to index
      %get3A_363 = arith.constant 32 : index
      %get3A_364 = tpu.vector_load %arg7[%get3A_362, %get3A_363] {strides = array<i32>} : memref<200x64xf32, #tpu.memory_space<vmem>>, vector<16xf32>,
      %get3A_365 = arith.index_cast %add3A_342 : i32 to index
      %get3A_366 = arith.constant 48 : index
      %get3A_367 = tpu.vector_load %arg7[%get3A_365, %get3A_366] {strides = array<i32>} : memref<200x64xf32, #tpu.memory_space<vmem>>, vector<16xf32>,
      %parallel_loop3A_368 = arith.constant 0 : i32
      %parallel_loop3A_369 = arith.constant 128 : i32
      %parallel_loop3A_370 = arith.constant 1 : i32
      scf.for %parallel_loop3A_396 = %parallel_loop3A_368 to %parallel_loop3A_369 step %parallel_loop3A_370  : i32 {
        %parallel_loop3A_397 = vector.broadcast %parallel_loop3A_396 : i32 to vector<16xi32>
        %parallel_loop3A_398 = arith.index_cast %parallel_loop3A_396 : i32 to index
        %parallel_loop3A_399 = arith.constant 0 : index
        %parallel_loop3A_400 = tpu.vector_load %arg9[%parallel_loop3A_398, %parallel_loop3A_399] {strides = array<i32>} : memref<128x64xf32, #tpu.memory_space<vmem>>, vector<16xf32>,
        %parallel_loop3A_401 = arith.addf %parallel_loop3A_400, %get3A_358 : vector<16xf32>
        tpu.vector_store_idx %arg11[%select_n3A, %select_n3A_151, %parallel_loop3A_397], %parallel_loop3A_401 : memref<8x8x133xf32, #tpu.memory_space<vmem>>[vector<16xi32>, vector<16xi32>, vector<16xi32>], vector<16xf32>,
        %parallel_loop3A_402 = arith.index_cast %parallel_loop3A_396 : i32 to index
        %parallel_loop3A_403 = arith.constant 16 : index
        %parallel_loop3A_404 = tpu.vector_load %arg9[%parallel_loop3A_402, %parallel_loop3A_403] {strides = array<i32>} : memref<128x64xf32, #tpu.memory_space<vmem>>, vector<16xf32>,
        %parallel_loop3A_405 = arith.addf %parallel_loop3A_404, %get3A_361 : vector<16xf32>
        tpu.vector_store_idx %arg11[%select_n3A_60, %select_n3A_176, %parallel_loop3A_397], %parallel_loop3A_405 : memref<8x8x133xf32, #tpu.memory_space<vmem>>[vector<16xi32>, vector<16xi32>, vector<16xi32>], vector<16xf32>,
        %parallel_loop3A_406 = arith.index_cast %parallel_loop3A_396 : i32 to index
        %parallel_loop3A_407 = arith.constant 32 : index
        %parallel_loop3A_408 = tpu.vector_load %arg9[%parallel_loop3A_406, %parallel_loop3A_407] {strides = array<i32>} : memref<128x64xf32, #tpu.memory_space<vmem>>, vector<16xf32>,
        %parallel_loop3A_409 = arith.addf %parallel_loop3A_408, %get3A_364 : vector<16xf32>
        tpu.vector_store_idx %arg11[%select_n3A_94, %select_n3A_201, %parallel_loop3A_397], %parallel_loop3A_409 : memref<8x8x133xf32, #tpu.memory_space<vmem>>[vector<16xi32>, vector<16xi32>, vector<16xi32>], vector<16xf32>,
        %parallel_loop3A_410 = arith.index_cast %parallel_loop3A_396 : i32 to index
        %parallel_loop3A_411 = arith.constant 48 : index
        %parallel_loop3A_412 = tpu.vector_load %arg9[%parallel_loop3A_410, %parallel_loop3A_411] {strides = array<i32>} : memref<128x64xf32, #tpu.memory_space<vmem>>, vector<16xf32>,
        %parallel_loop3A_413 = arith.addf %parallel_loop3A_412, %get3A_367 : vector<16xf32>
        tpu.vector_store_idx %arg11[%select_n3A_128, %select_n3A_226, %parallel_loop3A_397], %parallel_loop3A_413 : memref<8x8x133xf32, #tpu.memory_space<vmem>>[vector<16xi32>, vector<16xi32>, vector<16xi32>], vector<16xf32>,
      } {sc.loop_unroll_factor = 2 : i64, sc.parallel_access}
      %dma_start3A_371 = arith.constant 0 : i32
      %dma_start3A_372 = arith.constant 0 : i32
      %dma_start3A_373 = arith.constant 0 : i32
      %dma_start3A_374 = tpu.memref_slice %arg11[%dma_start3A_371, %dma_start3A_372, %dma_start3A_373] : memref<8x8x133xf32, #tpu.memory_space<vmem>> -> memref<8x8x128xf32, #tpu.memory_space<vmem>>
      %dma_start3A_375 = arith.constant 0 : i32
      %dma_start3A_376 = arith.constant 0 : i32
      %dma_start3A_377 = arith.constant 0 : i32
      %dma_start3A_378 = tpu.memref_slice %arg5[%add3A_342, %dma_start3A_375, %add3A, %dma_start3A_376, %dma_start3A_377] : memref<200x8x32x8x128xf32, #tpu.memory_space<hbm>> -> memref<1x8x1x8x128xf32, #tpu.memory_space<hbm>>
      %dma_start3A_379 = tpu.memref_squeeze %dma_start3A_378 : memref<1x8x1x8x128xf32, #tpu.memory_space<hbm>> -> memref<8x8x128xf32, #tpu.memory_space<hbm>>
      %dma_start3A_380 = arith.constant 0 : i32
      %dma_start3A_381 = arith.constant 0 : i32
      %dma_start3A_382 = arith.constant 0 : i32
      %dma_start3A_383 = tpu.memref_slice %arg5[%add3A_342, %dma_start3A_380, %add3A, %dma_start3A_381, %dma_start3A_382] : memref<200x8x32x8x128xf32, #tpu.memory_space<hbm>> -> memref<1x8x1x8x128xf32, #tpu.memory_space<hbm>>
      %dma_start3A_384 = tpu.memref_squeeze %dma_start3A_383 : memref<1x8x1x8x128xf32, #tpu.memory_space<hbm>> -> memref<8x8x128xf32, #tpu.memory_space<hbm>>
      %dma_start3A_385 = arith.constant 0 : i32
      %dma_start3A_386 = arith.constant 0 : i32
      %dma_start3A_387 = arith.constant 0 : i32
      %dma_start3A_388 = tpu.memref_slice %arg11[%dma_start3A_385, %dma_start3A_386, %dma_start3A_387] : memref<8x8x133xf32, #tpu.memory_space<vmem>> -> memref<8x8x128xf32, #tpu.memory_space<vmem>>
      tpu.enqueue_dma source(%dma_start3A_388 : memref<8x8x128xf32, #tpu.memory_space<vmem>>) target(%dma_start3A_384 : memref<8x8x128xf32, #tpu.memory_space<hbm>>) target_semaphore(%arg15 : memref<!tpu.dma_semaphore, #tpu.memory_space<semaphore_mem>>)
      %add3A_389 = arith.constant 2 : i32
      %add3A_390 = arith.addi %add3A_342, %add3A_389 : i32
      %lt3A_391 = arith.constant 200 : i32
      %lt3A_392 = arith.cmpi slt, %add3A_390, %lt3A_391 : i32
      %convert_element_type3A_393 = arith.extui %lt3A_392 : i1 to i32
      %cond3A_394 = arith.constant 0 : i32
      %cond3A_395 = arith.cmpi ne, %convert_element_type3A_393, %cond3A_394 : i32
      scf.if %cond3A_395 {
        %add3A_396 = arith.constant 2 : i32
        %add3A_397 = arith.addi %add3A_342, %add3A_396 : i32
        %jit3A_398 = arith.constant 8 : i32
        %div3A_399 = arith.divsi %add3A_397, %jit3A_398 : i32
        %sign3A_400 = arith.constant 0 : i32
        %sign3A_401 = arith.cmpi sgt, %add3A_397, %sign3A_400 : i32
        %sign3A_402 = arith.extui %sign3A_401 : i1 to i32
        %sign3A_403 = arith.constant 0 : i32
        %sign3A_404 = arith.cmpi slt, %add3A_397, %sign3A_403 : i32
        %sign3A_405 = arith.extui %sign3A_404 : i1 to i32
        %sign3A_406 = arith.subi %sign3A_402, %sign3A_405 : i32
        %sign3A_407 = arith.constant 0 : i32
        %sign3A_408 = arith.cmpi sgt, %jit3A_398, %sign3A_407 : i32
        %sign3A_409 = arith.extui %sign3A_408 : i1 to i32
        %sign3A_410 = arith.constant 0 : i32
        %sign3A_411 = arith.cmpi slt, %jit3A_398, %sign3A_410 : i32
        %sign3A_412 = arith.extui %sign3A_411 : i1 to i32
        %sign3A_413 = arith.subi %sign3A_409, %sign3A_412 : i32
        %ne3A_414 = arith.cmpi ne, %sign3A_406, %sign3A_413 : i32
        %rem3A_415 = arith.remsi %add3A_397, %jit3A_398 : i32
        %ne3A_416 = arith.constant 0 : i32
        %ne3A_417 = arith.cmpi ne, %rem3A_415, %ne3A_416 : i32
        %and3A_418 = arith.andi %ne3A_414, %ne3A_417 : i1
        %sub3A_419 = arith.constant 1 : i32
        %sub3A_420 = arith.subi %div3A_399, %sub3A_419 : i32
        %select_n3A_421 = arith.select %and3A_418, %sub3A_420, %div3A_399 : i32
        %jit3A_422 = arith.constant 8 : i32
        %eq3A_423 = arith.constant 0 : i32
        %eq3A_424 = arith.cmpi eq, %jit3A_422, %eq3A_423 : i32
        %jit3A_425 = arith.constant 1 : i32
        %select_n3A_426 = arith.select %eq3A_424, %jit3A_425, %jit3A_422 : i32
        %rem3A_427 = arith.remsi %add3A_397, %select_n3A_426 : i32
        %ne3A_428 = arith.constant 0 : i32
        %ne3A_429 = arith.cmpi ne, %rem3A_427, %ne3A_428 : i32
        %lt3A_430 = arith.constant 0 : i32
        %lt3A_431 = arith.cmpi slt, %rem3A_427, %lt3A_430 : i32
        %lt3A_432 = arith.constant 0 : i32
        %lt3A_433 = arith.cmpi slt, %select_n3A_426, %lt3A_432 : i32
        %ne3A_434 = arith.xori %lt3A_431, %lt3A_433 : i1
        %and3A_435 = arith.andi %ne3A_434, %ne3A_429 : i1
        %add3A_436 = arith.addi %rem3A_427, %select_n3A_426 : i32
        %select_n3A_437 = arith.select %and3A_435, %add3A_436, %rem3A_427 : i32
        %dma_start3A_438 = arith.constant 0 : i32
        %dma_start3A_439 = tpu.memref_slice %arg6[%select_n3A_421, %select_n3A_437, %dma_start3A_438] : memref<25x8x128xi32, #tpu.memory_space<vmem>> -> memref<1x1x128xi32, #tpu.memory_space<vmem>>
        %dma_start3A_440 = tpu.memref_squeeze %dma_start3A_439 : memref<1x1x128xi32, #tpu.memory_space<vmem>> -> memref<128xi32, #tpu.memory_space<vmem>>
        %dma_start3A_441 = arith.constant 0 : i32
        %dma_start3A_442 = arith.constant 0 : i32
        %dma_start3A_443 = tpu.memref_slice %arg3[%dma_start3A_441, %dma_start3A_442] : memref<100000x64xf32, #tpu.memory_space<hbm>> -> memref<100000x64xf32, #tpu.memory_space<hbm>>
        tpu.enqueue_indirect_dma source(%dma_start3A_443 : memref<100000x64xf32, #tpu.memory_space<hbm>>) target(%arg9 : memref<128x64xf32, #tpu.memory_space<vmem>>) offsets(%dma_start3A_440 : memref<128xi32, #tpu.memory_space<vmem>>) semaphore(%arg13 : memref<!tpu.dma_semaphore, #tpu.memory_space<semaphore_mem>>)
      } else {
      }
    }
    %scan3A_246 = arith.constant 100 : i32
    %dma_wait3A = arith.constant 0 : i32
    %dma_wait3A_247 = arith.constant 0 : i32
    %dma_wait3A_248 = arith.constant 0 : i32
    %dma_wait3A_249 = arith.constant 0 : i32
    %dma_wait3A_250 = arith.constant 0 : i32
    %dma_wait3A_251 = tpu.memref_slice %arg10[%dma_wait3A_248, %dma_wait3A_249, %dma_wait3A_250] : memref<8x8x133xf32, #tpu.memory_space<vmem>> -> memref<8x8x128xf32, #tpu.memory_space<vmem>>
    %dma_wait3A_252 = arith.constant 0 : i32
    %dma_wait3A_253 = arith.constant 0 : i32
    %dma_wait3A_254 = arith.constant 0 : i32
    %dma_wait3A_255 = tpu.memref_slice %arg5[%dma_wait3A, %dma_wait3A_252, %dma_wait3A_247, %dma_wait3A_253, %dma_wait3A_254] : memref<200x8x32x8x128xf32, #tpu.memory_space<hbm>> -> memref<1x8x1x8x128xf32, #tpu.memory_space<hbm>>
    %dma_wait3A_256 = tpu.memref_squeeze %dma_wait3A_255 : memref<1x8x1x8x128xf32, #tpu.memory_space<hbm>> -> memref<8x8x128xf32, #tpu.memory_space<hbm>>
    %dma_wait3A_257 = arith.constant 0 : i32
    %dma_wait3A_258 = arith.constant 0 : i32
    %dma_wait3A_259 = arith.constant 0 : i32
    %dma_wait3A_260 = tpu.memref_slice %arg5[%dma_wait3A, %dma_wait3A_257, %dma_wait3A_247, %dma_wait3A_258, %dma_wait3A_259] : memref<200x8x32x8x128xf32, #tpu.memory_space<hbm>> -> memref<1x8x1x8x128xf32, #tpu.memory_space<hbm>>
    %dma_wait3A_261 = tpu.memref_squeeze %dma_wait3A_260 : memref<1x8x1x8x128xf32, #tpu.memory_space<hbm>> -> memref<8x8x128xf32, #tpu.memory_space<hbm>>
    %dma_wait3A_262 = arith.constant 0 : i32
    %dma_wait3A_263 = arith.constant 0 : i32
    %dma_wait3A_264 = arith.constant 0 : i32
    %dma_wait3A_265 = tpu.memref_slice %arg10[%dma_wait3A_262, %dma_wait3A_263, %dma_wait3A_264] : memref<8x8x133xf32, #tpu.memory_space<vmem>> -> memref<8x8x128xf32, #tpu.memory_space<vmem>>
    tpu.wait_dma2 semaphore(%arg14 : memref<!tpu.dma_semaphore, #tpu.memory_space<semaphore_mem>>) src(%dma_wait3A_265 : memref<8x8x128xf32, #tpu.memory_space<vmem>>) dst(%dma_wait3A_261 : memref<8x8x128xf32, #tpu.memory_space<hbm>>)
    %dma_wait3A_266 = arith.constant 0 : i32
    %dma_wait3A_267 = arith.constant 0 : i32
    %dma_wait3A_268 = arith.constant 0 : i32
    %dma_wait3A_269 = arith.constant 0 : i32
    %dma_wait3A_270 = arith.constant 0 : i32
    %dma_wait3A_271 = tpu.memref_slice %arg11[%dma_wait3A_268, %dma_wait3A_269, %dma_wait3A_270] : memref<8x8x133xf32, #tpu.memory_space<vmem>> -> memref<8x8x128xf32, #tpu.memory_space<vmem>>
    %dma_wait3A_272 = arith.constant 0 : i32
    %dma_wait3A_273 = arith.constant 0 : i32
    %dma_wait3A_274 = arith.constant 0 : i32
    %dma_wait3A_275 = tpu.memref_slice %arg5[%dma_wait3A_266, %dma_wait3A_272, %dma_wait3A_267, %dma_wait3A_273, %dma_wait3A_274] : memref<200x8x32x8x128xf32, #tpu.memory_space<hbm>> -> memref<1x8x1x8x128xf32, #tpu.memory_space<hbm>>
    %dma_wait3A_276 = tpu.memref_squeeze %dma_wait3A_275 : memref<1x8x1x8x128xf32, #tpu.memory_space<hbm>> -> memref<8x8x128xf32, #tpu.memory_space<hbm>>
    %dma_wait3A_277 = arith.constant 0 : i32
    %dma_wait3A_278 = arith.constant 0 : i32
    %dma_wait3A_279 = arith.constant 0 : i32
    %dma_wait3A_280 = tpu.memref_slice %arg5[%dma_wait3A_266, %dma_wait3A_277, %dma_wait3A_267, %dma_wait3A_278, %dma_wait3A_279] : memref<200x8x32x8x128xf32, #tpu.memory_space<hbm>> -> memref<1x8x1x8x128xf32, #tpu.memory_space<hbm>>
    %dma_wait3A_281 = tpu.memref_squeeze %dma_wait3A_280 : memref<1x8x1x8x128xf32, #tpu.memory_space<hbm>> -> memref<8x8x128xf32, #tpu.memory_space<hbm>>
    %dma_wait3A_282 = arith.constant 0 : i32
    %dma_wait3A_283 = arith.constant 0 : i32
    %dma_wait3A_284 = arith.constant 0 : i32
    %dma_wait3A_285 = tpu.memref_slice %arg11[%dma_wait3A_282, %dma_wait3A_283, %dma_wait3A_284] : memref<8x8x133xf32, #tpu.memory_space<vmem>> -> memref<8x8x128xf32, #tpu.memory_space<vmem>>
    tpu.wait_dma2 semaphore(%arg15 : memref<!tpu.dma_semaphore, #tpu.memory_space<semaphore_mem>>) src(%dma_wait3A_285 : memref<8x8x128xf32, #tpu.memory_space<vmem>>) dst(%dma_wait3A_281 : memref<8x8x128xf32, #tpu.memory_space<hbm>>)
    return
  }
}

</mosaic_0001>

<sc_bundles>
// kernel: kernel.3.cloned.1.call-start
scs
__scs_entry_jumppad:
0x0: {  	(pc) =	sbr.rel $0x88, $3  }
0x1: {  	(tag) =	ssettag $0x0;
	lr =	simm.s32 $0x1  }
0x2: {  	[smem:$0x3F9E] =	sst lr;
	_ =	strace $0xD0000000  }
0x3: {  	_ = 	snop  }
0x4: {  	_ = 	snop  }
0x5: {  	_ = 	snop  }
0x6: {  	_ = 	snop  }
0x7: {  	_ = 	snop  }
__scs_overlays_trampoline_lowered:
0x8: {  	[smem:$0x3FAD] =	sst s0  }
0x9: {  	[smem:$0x3FAE] =	sst s1  }
0xa: {  	[smem:$0x3FAF] =	sst s2  }
0xb: {  	[smem:$0x3FB0] =	sst s3  }
0xc: {  	[smem:$0x3FB1] =	sst s4  }
0xd: {  	[smem:$0x3FB2] =	sst s5  }
0xe: {  	[smem:$0x3FB3] =	sst s6  }
0xf: {  	[smem:$0x3FB4] =	sst s7  }
0x10: {  	[smem:$0x3FB5] =	sst s8  }
0x11: {  	[smem:$0x3FB6] =	sst s9;
	s0 =	simm.s32 @!p0 $0x0  }
0x12: {  	s1 =	sld [smem:$0x3F9C];
	s0 =	simm.s32 @p0 $0x1  }
0x13: {  	[smem:$0x3FB7] =	sst s0;
	s0 =	simm.s32 @!p1 $0x0  }
0x14: {  	s2 =	sld [smem:$0x3F9B];
	s0 =	simm.s32 @p1 $0x1  }
0x15: {  	[smem:$0x3FB8] =	sst s0;
	s0 =	simm.s32 @!p2 $0x0  }
0x16: {  	s3 =	sld [smem:$0x3FDB];
	s0 =	simm.s32 @p2 $0x1  }
0x17: {  	s4 =	simm.s32 $0x1BF5;
	[smem:$0x3FBA] =	sst s0  }
0x18: {  	s0 =	sld [smem:$0x3F9D];
	_ =	swait.ge [sflag:s4], $0x0  }
0x19: {  	s7 =	sld [smem:$0x3F9E]  }
0x1a: {  	s8 =	sadd.s32 $0xFFFFE003, lr  }
0x1b: {  	s9 =	sadd.s32 $0xFFFFFEF7, lr;
	s5 =	simm.s32 $0xFFFFFFFF;
	p2 =	slt.u32 s8, $0xFFFFF086  }
0x1c: {  	p1 =	slt.u32 s9, $0xF7A;
	s5 =	simm.s32 @!p2 $0x0  }
0x1d: {  	s5 =	simm.s32 @p1 $0x1;
	p0 =	seq.s32 s7, s2  }
0x1e: {  	s7 =	smul.u32 @!p0 $0xF7A, s2;
	p2 =	seq.s32 @!p0 s5, $0x0  }
0x1f: {  	s9 =	smul.u32 $0xF7A, s1;
	s8 =	simm.s32 @!p0 $0x1BF5;
	p2 =	por !p2, p0  }
0x20: {  	[sflag:s8] =	ssyncset.s32 @!p0 $0xFFFFF086;
	s6 =	sadd.s32 @!p0 s3, s7;
	s7 =	simm.s32 @!p0 $0x108  }
0x21: {  	s3 =	sadd.s32 s3, s9;
	s6 =	sadd.s32 @!p0 $0x88, s6;
	s7 =	simm.s32 @p2 $0x1082  }
0x22: {  	[simem:s7], [sflag:s8] =	dma.local @!p0 [hbm:s6], $0xF7A  }
0x23: {  	s9 =	sor.u32 $0xD0000000, s2;
	s6 =	simm.s32 $0x108;
	_ =	swait.ge @!p0 [sflag:s8], $0x0  }
0x24: {  	s3 =	sadd.s32 $0x88, s3;
	s6 =	simm.s32 @!p1 $0x1082;
	[sflag:s4] =	ssyncset.s32 $0xFFFFF086  }
0x25: {  	[simem:s6], [sflag:s4] =	dma.local [hbm:s3], $0xF7A  }
0x26: {  	[smem:$0x3F9E] =	sst s1;
	(tag) =	ssettag s2;
	_ =	strace s9  }
0x27: {  	s1 =	sld [smem:$0x3FAE]  }
0x28: {  	s2 =	sld [smem:$0x3FAF]  }
0x29: {  	s4 =	sld [smem:$0x3FB1]  }
0x2a: {  	p0 =	seq.s32 s5, $0x0;
	s5 =	sld [smem:$0x3FB2]  }
0x2b: {  	s6 =	sld [smem:$0x3FB3]  }
0x2c: {  	s7 =	sld [smem:$0x3FB4]  }
0x2d: {  	s3 =	simm.s32 $0x108;
	s8 =	sld [smem:$0x3FB5]  }
0x2e: {  	s3 =	simm.s32 @!p0 $0x1082;
	s9 =	sld [smem:$0x3FB6]  }
0x2f: {  	lr =	sadd.s32 s0, s3;
	s0 =	sld [smem:$0x3FAD]  }
0x30: {  	s3 =	sld [smem:$0x3FB0]  }
0x31: {  	[smem:$0x3FB9] =	sst s10  }
0x32: {  	s10 =	sld [smem:$0x3FB7];
	_ =	sdelay $0x3  }
0x33: {  	p0 =	seq.s32 s10, $0x1;
	s10 =	sld [smem:$0x3FB9];
	_ =	sdelay $0x3  }
0x34: {  	[smem:$0x3FB9] =	sst s10  }
0x35: {  	s10 =	sld [smem:$0x3FB8];
	_ =	sdelay $0x3  }
0x36: {  	p1 =	seq.s32 s10, $0x1;
	s10 =	sld [smem:$0x3FB9];
	_ =	sdelay $0x3  }
0x37: {  	[smem:$0x3FB9] =	sst s10  }
0x38: {  	s10 =	sld [smem:$0x3FBA]  }
0x39: {  	_ = 	snop;
	(pc) =	sbr.ind lr, $3  }
0x3a: {  	_ = 	snop  }
0x3b: {  	_ = 	snop  }
0x3c: {  	p2 =	seq.s32 s10, $0x1;
	s10 =	sld [smem:$0x3FB9]  }
0x3d: {  	_ =	shalt  }
0x3e: {  	_ =	shalt  }
0x3f: {  	_ =	shalt  }
0x40: {  	_ =	shalt  }
0x41: {  	_ =	shalt  }
0x42: {  	_ =	shalt  }
0x43: {  	_ =	shalt  }
0x44: {  	_ =	shalt  }
0x45: {  	_ =	shalt  }
0x46: {  	_ =	shalt  }
0x47: {  	_ =	shalt  }
0x48: {  	_ =	shalt  }
0x49: {  	_ =	shalt  }
0x4a: {  	_ =	shalt  }
0x4b: {  	_ =	shalt  }
0x4c: {  	_ =	shalt  }
0x4d: {  	_ =	shalt  }
0x4e: {  	_ =	shalt  }
0x4f: {  	_ =	shalt  }
0x50: {  	_ =	shalt  }
0x51: {  	_ =	shalt  }
0x52: {  	_ =	shalt  }
0x53: {  	_ =	shalt  }
0x54: {  	_ =	shalt  }
0x55: {  	_ =	shalt  }
0x56: {  	_ =	shalt  }
0x57: {  	_ =	shalt  }
0x58: {  	_ =	shalt  }
0x59: {  	_ =	shalt  }
0x5a: {  	_ =	shalt  }
0x5b: {  	_ =	shalt  }
0x5c: {  	_ =	shalt  }
0x5d: {  	_ =	shalt  }
0x5e: {  	_ =	shalt  }
0x5f: {  	_ =	shalt  }
0x60: {  	_ =	shalt  }
0x61: {  	_ =	shalt  }
0x62: {  	_ =	shalt  }
0x63: {  	_ =	shalt  }
0x64: {  	_ =	shalt  }
0x65: {  	_ =	shalt  }
0x66: {  	_ =	shalt  }
0x67: {  	_ =	shalt  }
0x68: {  	_ =	shalt  }
0x69: {  	_ =	shalt  }
0x6a: {  	_ =	shalt  }
0x6b: {  	_ =	shalt  }
0x6c: {  	_ =	shalt  }
0x6d: {  	_ =	shalt  }
0x6e: {  	_ =	shalt  }
0x6f: {  	_ =	shalt  }
0x70: {  	_ =	shalt  }
0x71: {  	_ =	shalt  }
0x72: {  	_ =	shalt  }
0x73: {  	_ =	shalt  }
0x74: {  	_ =	shalt  }
0x75: {  	_ =	shalt  }
0x76: {  	_ =	shalt  }
0x77: {  	_ =	shalt  }
0x78: {  	_ =	shalt  }
0x79: {  	_ =	shalt  }
0x7a: {  	_ =	shalt  }
0x7b: {  	_ =	shalt  }
0x7c: {  	_ =	shalt  }
0x7d: {  	_ =	shalt  }
0x7e: {  	_ =	shalt  }
0x7f: {  	_ =	shalt  }
0x80: {  	_ =	shalt  }
0x81: {  	_ =	shalt  }
0x82: {  	_ =	shalt  }
0x83: {  	_ =	shalt  }
0x84: {  	_ =	shalt  }
0x85: {  	_ =	shalt  }
0x86: {  	_ =	shalt  }
0x87: {  	_ =	shalt  }
.Lfunc_end0:
.L_simem_size_0:
called_computation_lowered:
.L_overlay_start_0:
0x88: {  	s2 =	sld [smem:$0x3FD9]  }
0x89: {  	s3 =	sld [smem:$0x3FFE];
	_ =	sdelay $0x1  }
0x8a: {  	s1 =	srdreg.scid  }
0x8b: {  	s0 =	sand.u32 $0x1, s1  }
0x8c: {  	s17 =	sshll.u32 s0, $0xA;
	s2 =	sadd.s32 s3, s2  }
0x8d: {  	s2 =	sadd.s32 s2, s17  }
0x8e: {  	[smem:$0x3FC5] =	sst s2  }
0x8f: {  	_ = 	snop  }
0x90: {  	s2 =	sld [smem:$0x3FC9]  }
0x91: {  	s18 =	sld [smem:$0x3FD0];
	(tm) =	ssettm $0x1  }
0x92: {  	s4 =	sld [smem:$0x3FFB];
	_ =	sdelay $0x3  }
0x93: {  	_ =	strace s4  }
0x94: {  	s4 =	sld [smem:$0x3FFC];
	_ =	sdelay $0x3  }
0x95: {  	_ =	strace s4  }
0x96: {  	s4 =	sld [smem:$0x3FFD];
	_ =	sdelay $0x3  }
0x97: {  	_ =	strace s4  }
0x98: {  	_ =	strace $0x8FFFFFFF  }
0x99: {  	s19 =	sld [smem:$0x3FDB];
	_ =	sdelay $0x1  }
0x9a: {  	s5 =	simm.s32 $_scs_section_size  }
0x9b: {  	s6 =	simm.s32 $_size__tile_overlayer_lowered;
	s7 =	simm.s32 $_tile_overlayer_lowered  }
0x9c: {  	s22 =	simm.s32 $0x1BFF;
	s21 =	sshll.u32 s7, $0x1;
	s4 =	sadd.s32 s5, s19  }
0x9d: {  	s8 =	simm.s32 $0x0;
	s20 =	sshll.u32 s6, $0x1;
	s6 =	sadd.s32 s21, s4  }
0x9e: {  	[timem:s8], [sflag:s22] =	dma.local [hbm:s6], s20  }
0x9f: {  	_ =	swait.ge [sflag:s22], s20  }
0xa0: {  	s5 =	ssub.s32 $0x0, s20;
	[sflag:s22] =	ssyncset.done $0x0  }
0xa1: {  	[sflag:s22] =	ssyncadd.s32 s5;
	_ =	sdelay $0x1  }
0xa2: {  	s23 =	simm.s32 $0x1B8B  }
0xa3: {  	_ =	swait.ge [sflag:s23], $0x1  }
0xa4: {  	[sflag:s23] =	ssyncset.done $0x0  }
0xa5: {  	s25 =	simm.s32 $0x1B8E;
	s24 =	sld [smem:$0x3FFE];
	[sflag:s23] =	ssyncadd.s32 $0xFFFFFFFF  }
0xa6: {  	s26 =	simm.s32 $execute0_lowered;
	[smem:$0x3FD2] =	sst s25  }
0xa7: {  	s6 =	sshll.u32 s26, $0x1;
	_ =	strace $0x80000046;
	[dreg:$0x1] =	wrdreg $0xFFFFFFFF  }
0xa8: {  	s28 =	simm.s32 $_size_execute0_lowered;
	s4 =	sadd.s32 s4, s6;
	[dreg:$0x0] =	wrdreg $0x0  }
0xa9: {  	s6 =	sshll.u32 s28, $0x1;
	[dreg:$0x2] =	wrdreg s4  }
0xaa: {  	[dreg:$0x3] =	wrdreg s6  }
0xab: {  	[dreg:$0x4] =	wrdreg $0xC0  }
0xac: {  	_ =	task [dreg:s8], $0x5FFFF  }
0xad: {  	[dreg:$0x1] =	wrdreg $0xFFFFFFFF  }
0xae: {  	[dreg:$0x0] =	wrdreg $0x60  }
0xaf: {  	[dreg:$0x2] =	wrdreg s2  }
0xb0: {  	[dreg:$0x3] =	wrdreg s24  }
0xb1: {  	[dreg:$0x4] =	wrdreg s18  }
0xb2: {  	[dreg:$0x5] =	wrdreg $0x9  }
0xb3: {  	_ =	task.clear_ibuf [dreg:s8], $0x6FFFF;
	_ =	strace $0x90000046  }
0xb4: {  	s29 =	simm.s32 $0x9;
	_ =	strace $0x80000048  }
0xb5: {  	_ =	swait.ge [sflag:s29], $0x1  }
0xb6: {  	[sflag:s29] =	ssyncadd.s32 $0xFFFFFFFF  }
0xb7: {  	_ =	strace $0x90000048  }
0xb8: {  	_ =	sfence  }
0xb9: {  	s30 =	sld [smem:$0x0];
	_ =	sdelay $0x2  }
0xba: {  	s31 =	sshll.u32 s1, $0xD;
	s1 =	sshrl.u32 s1, $0x2  }
0xbb: {  	s3 =	sand.u32 $0x4000, s31;
	s1 =	sadd.s32 s1, s30  }
0xbc: {  	s0 =	sor.u32 s3, s0;
	s1 =	sshll.u32 s1, $0x11  }
0xbd: {  	s0 =	sor.u32 s1, s0  }
0xbe: {  	s0 =	sadd.s32 $0x8F2B, s0  }
0xbf: {  	[sflag:s0] =	ssyncadd.remote.s32 $0x1  }
0xc0: {  	_ =	sfence.sel $0xFFFF  }
0xc1: {  	[dreg:$0x0] =	wrdreg $0xFFFFFFFF;
	(pc) =	sbr.abs _section_cstart, $3  }
0xc2: {  	[dreg:$0x1] =	wrdreg $0xFFFFFFFF  }
0xc3: {  	_ =	task.clear_ibuf [dreg:s8], $0x2FFFF;
	_ =	strace $0x9FFFFFFF  }
0xc4: {  	(tm) =	ssettm $0x7FFFFFFF  }
0xc5: {  	_ =	shalt  }
tec
execute0_lowered:
.L_overlay_start_1:
0x0: {  	(tag) =	ssettag $0x1  }
0x1: {  	s0 =	rddreg [dreg:$0x0]  }
0x2: {  	s1 =	rddreg [dreg:$0x1]  }
0x3: {  	s2 =	rddreg [dreg:$0x2];
	s4 =	srdreg.scid  }
0x4: {  	s3 =	simm.s32 $0x0;
	s5 =	stileid.u32;
	s10 =	simm.s32 $0x8000  }
0x5: {  	s11 =	simm.s32 $0x5;
	s12 =	simm.s32 $0x6400;
	s13 =	simm.s32 $0x80  }
0x6: {  	s14 =	simm.s32 $0x9600;
	s15 =	simm.s32 $0xB600;
	s16 =	simm.s32 $0x1  }
0x7: {  	s17 =	simm.s32 $0xD600;
	s18 =	simm.s32 $0x2;
	s19 =	simm.s32 $0xF800  }
0x8: {  	s20 =	simm.s32 $0x3;
	s21 =	simm.s32 $0x4;
	s22 =	simm.s32 $0x0  }
.Ltmp0:
0x9: {  	s4 =	sand.u32 $0x1, s4;
	[smem:$0x7FF] =	sst s3;
	(pc) =	sbr.rel .LBB2_1-.Ltmp0, $4  }
0xa: {  	v0 =	vlaneseq.u32;
	s5 =	sshll.u32 s5, $0xB;
	s6 =	sshll.u32 s4, $0xA;
	s7 =	ssub.s32 $0x2, s4  }
0xb: {  	v0 =	vmul.u32 $0x88, v0;
	_ =	strace $0x80000047;
	s4 =	sor.u32 s6, s5;
	s8 =	sshrl.u32 s7, $0x1  }
0xc: {  	s5 =	sadd.s32 $0xC00, s1;
	s9 =	sshrl.u32 s4, $0x3;
	s31 =	ssub.s32 s7, s8  }
0xd: {  	s6 =	sadd.s32 $0x400, s1;
	v1 =	vadd.s32 $0x880, v0;
	v2 =	vadd.s32 $0x1100, v0;
	v3 =	vadd.s32 $0x1980, v0;
	s7 =	sadd.s32 s0, s9;
	s8 =	smax.u32 s31, $0x1  }
.LBB2_12:
0xe: {  	s22 =	sadd.s32 $0x1, s22  }
0xf: {  	_ =	swait.ge [sflag:s20], $0x2000;
	p0 =	sne.s32 s22, s8  }
.Ltmp1:
0x10: {  	[sflag:s20] =	ssyncset.done $0x0;
	(pc) =	sbr.rel @!p0 .LBB2_13-.Ltmp1, $4  }
0x11: {  	[sflag:s20] =	ssyncadd.s32 $0xFFFFE000  }
0x12: {  	_ =	swait.ge [sflag:s21], $0x2000  }
0x13: {  	[sflag:s21] =	ssyncset.done $0x0  }
0x14: {  	[sflag:s21] =	ssyncadd.s32 $0xFFFFE000  }
.LBB2_1:
0x15: {  	s0 =	simm.s32 $0x400  }
0x16: {  	[tilespmem:s3], [sflag:$0x5] =	stream.strided.gather [hbm4b:s7+s0], $0x6400, s10, s0, $0x38;
	[tilespmem:$0x11A00] =	vst v63  }
0x17: {  	_ =	swait.ge [sflag:s11], $0x6400  }
0x18: {  	[sflag:s11] =	ssyncset.done $0x0  }
0x19: {  	[sflag:s11] =	ssyncadd.s32 $0xFFFF9C00  }
0x1a: {  	[tilespmem:s12], [sflag:$0x5] =	stream.linear.gather [hbm4b:s6+s3], $0x3200, $0x38;
	[tilespmem:$0x11A00] =	vst v63  }
0x1b: {  	_ =	swait.ge [sflag:s11], $0x3200  }
0x1c: {  	[sflag:s11] =	ssyncset.done $0x0  }
0x1d: {  	[sflag:s11] =	ssyncadd.s32 $0xFFFFCE00  }
0x1e: {  	[tilespmem:s14], [sflag:$0x1] =	stream.indirect.gather [hbm4b:s5+s13], $0x40, s3, s13, $0xb8;
	[tilespmem:$0x11A00] =	vst v63  }
0x1f: {  	s23 =	simm.s32 $0x0  }
0x20: {  	[tilespmem:s15], [sflag:$0x2] =	stream.indirect.gather [hbm4b:s5+s13], $0x40, s13, s13, $0xb8;
	[tilespmem:$0x11A00] =	vst v63  }
.LBB2_2:
0x21: {  	_ =	swait.ge [sflag:s16], $0x2000  }
0x22: {  	p0 =	seq.s32 s23, $0x0;
	[sflag:s16] =	ssyncset.done $0x0  }
0x23: {  	s0 =	simm.s32 @!p0 $0x3;
	[sflag:s16] =	ssyncadd.s32 $0xFFFFE000  }
0x24: {  	_ =	swait.ge @!p0 [sflag:s0], $0x2000  }
0x25: {  	s1 =	sshll.u32 s23, $0x7;
	[sflag:s0] =	ssyncset.done @!p0 $0x0  }
0x26: {  	s26 =	sand.u32 $0x3FFFFF80, s1;
	[sflag:s0] =	ssyncadd.s32 @!p0 $0xFFFFE000  }
0x27: {  	s24 =	simm.s32 $0x9640;
	s9 =	simm.s32 $0x1;
	v9 =	vld [tilespmem:s26+$0x6400]  }
0x28: {  	v4 =	vmov s9;
	v6 =	vld [tilespmem:s24+$0x0]  }
0x29: {  	v14 =	vand.u32 $0x7F, v4  }
0x2a: {  	v8 =	vadd.s32 v0, v14  }
0x2b: {  	s25 =	simm.s32 $0x0;
	v7 =	vld [tilespmem:s26+$0x6410]  }
0x2c: {  	v4 =	vmov s25;
	v10 =	vld [tilespmem:s24+$0xFFFFFFC0]  }
0x2d: {  	v18 =	vand.u32 $0x7E, v4;
	v5 =	vld [tilespmem:s26+$0x6420];
	v6 =	vadd.f32 v6, v9  }
0x2e: {  	s25 =	simm.s32 $0x96C0;
	v11 =	vadd.s32 v0, v18;
	v4 =	vld [tilespmem:s26+$0x6430];
	s26 =	simm.s32 $0x3  }
0x2f: {  	v12 =	vld [tilespmem:s25+$0x0];
	[tilespmem:v8+s17+$0x0] =	vst.idx.msk $0xffff, v6;
	v6 =	vmov s26  }
0x30: {  	v6 =	vand.u32 $0x7F, v6;
	v13 =	vld [tilespmem:s24+$0x10]  }
0x31: {  	v8 =	vadd.f32 v10, v9;
	v10 =	vadd.s32 v0, v6  }
0x32: {  	s1 =	simm.s32 $0x2;
	v15 =	vadd.s32 v1, v14  }
0x33: {  	[tilespmem:v11+s17+$0x0] =	vst.idx.msk $0xffff, v8;
	v8 =	vmov s1;
	v11 =	vld [tilespmem:s25+$0xFFFFFFC0]  }
0x34: {  	v12 =	vadd.f32 v12, v9;
	v8 =	vand.u32 $0x7E, v8;
	v16 =	vld [tilespmem:s24+$0xFFFFFFD0]  }
0x35: {  	s9 =	simm.s32 $0x5;
	s26 =	simm.s32 $0x9740;
	v17 =	vadd.s32 v0, v8;
	v13 =	vadd.f32 v13, v7  }
0x36: {  	v19 =	vld [tilespmem:s26+$0x0];
	[tilespmem:v10+s17+$0x0] =	vst.idx.msk $0xffff, v12;
	v12 =	vadd.s32 v1, v18;
	v10 =	vmov s9  }
0x37: {  	[tilespmem:v15+s17+$0x0] =	vst.idx.msk $0xffff, v13;
	v10 =	vand.u32 $0x7F, v10;
	v13 =	vld [tilespmem:s25+$0x10]  }
0x38: {  	v11 =	vadd.f32 v11, v9;
	v15 =	vadd.s32 v0, v10;
	v20 =	vld [tilespmem:s24+$0x20]  }
0x39: {  	s1 =	simm.s32 $0x4;
	v21 =	vadd.s32 v1, v6;
	v16 =	vadd.f32 v16, v7  }
0x3a: {  	v22 =	vadd.s32 v2, v14;
	[tilespmem:v17+s17+$0x0] =	vst.idx.msk $0xffff, v11;
	v11 =	vmov s1;
	v17 =	vld [tilespmem:s26+$0xFFFFFFC0]  }
0x3b: {  	v11 =	vand.u32 $0x7E, v11;
	[tilespmem:v12+s17+$0x0] =	vst.idx.msk $0xffff, v16;
	v12 =	vadd.f32 v19, v9;
	v16 =	vld [tilespmem:s25+$0xFFFFFFD0]  }
0x3c: {  	s28 =	simm.s32 $0x97C0;
	s9 =	simm.s32 $0x7;
	v19 =	vadd.s32 v0, v11;
	v13 =	vadd.f32 v13, v7;
	v23 =	vld [tilespmem:s24+$0xFFFFFFE0]  }
0x3d: {  	v24 =	vld [tilespmem:s28+$0x0];
	[tilespmem:v15+s17+$0x0] =	vst.idx.msk $0xffff, v12;
	v15 =	vadd.s32 v1, v8;
	v20 =	vadd.f32 v20, v5;
	v12 =	vmov s9  }
0x3e: {  	[tilespmem:v21+s17+$0x0] =	vst.idx.msk $0xffff, v13;
	v21 =	vadd.s32 v2, v18;
	v12 =	vand.u32 $0x7F, v12;
	v25 =	vld [tilespmem:s26+$0x10]  }
0x3f: {  	v13 =	vadd.f32 v17, v9;
	[tilespmem:v22+s17+$0x0] =	vst.idx.msk $0xffff, v20;
	v17 =	vadd.s32 v0, v12;
	v20 =	vld [tilespmem:s25+$0x20]  }
0x40: {  	s1 =	simm.s32 $0x6;
	v26 =	vadd.s32 v1, v10;
	v16 =	vadd.f32 v16, v7;
	v27 =	vld [tilespmem:s24+$0x30]  }
0x41: {  	v28 =	vadd.s32 v2, v6;
	[tilespmem:v19+s17+$0x0] =	vst.idx.msk $0xffff, v13;
	v13 =	vmov s1;
	v19 =	vadd.f32 v23, v5;
	v23 =	vld [tilespmem:s28+$0xFFFFFFC0]  }
0x42: {  	v30 =	vadd.s32 v3, v14;
	v13 =	vand.u32 $0x7E, v13;
	v29 =	vld [tilespmem:s26+$0xFFFFFFD0];
	[tilespmem:v15+s17+$0x0] =	vst.idx.msk $0xffff, v16;
	v16 =	vadd.f32 v24, v9  }
0x43: {  	[tilespmem:v21+s17+$0x0] =	vst.idx.msk $0xffff, v19;
	v21 =	vadd.s32 v0, v13;
	v14 =	vadd.f32 v25, v7;
	v15 =	vld [tilespmem:s25+$0xFFFFFFE0]  }
0x44: {  	s30 =	simm.s32 $0x9840;
	s9 =	simm.s32 $0x9;
	v19 =	vadd.s32 v1, v11;
	[tilespmem:v17+s17+$0x0] =	vst.idx.msk $0xffff, v16;
	v20 =	vadd.f32 v20, v5;
	v16 =	vld [tilespmem:s24+$0xFFFFFFF0]  }
0x45: {  	v22 =	vld [tilespmem:s30+$0x0];
	v24 =	vmov s9;
	v17 =	vadd.s32 v2, v8;
	[tilespmem:v26+s17+$0x0] =	vst.idx.msk $0xffff, v14;
	v27 =	vadd.f32 v27, v4  }
0x46: {  	s31 =	simm.s32 $0xA;
	v18 =	vadd.s32 v3, v18;
	v14 =	vand.u32 $0x7F, v24;
	v26 =	vadd.f32 v23, v9;
	v23 =	vld [tilespmem:s28+$0x10];
	[tilespmem:v28+s17+$0x0] =	vst.idx.msk $0xffff, v20  }
0x47: {  	s29 =	simm.s32 $0x9840;
	s0 =	simm.s32 $0x8;
	s24 =	sshll.u32 s23, $0x1;
	v24 =	vadd.s32 v0, v14;
	v25 =	vadd.f32 v29, v7;
	v20 =	vld [tilespmem:s26+$0x20];
	[tilespmem:v30+s17+$0x0] =	vst.idx.msk $0xffff, v27  }
.LBB2_3:
0x48: {  	p1 =	slt.u32 s31, $0x7E;
	[tilespmem:v21+s17+$0x0] =	vst.idx.msk $0xffff, v26;
	v26 =	vadd.s32 v1, v12;
	v15 =	vadd.f32 v15, v5;
	v27 =	vld [tilespmem:s25+$0x30];
	v28 =	vmov v11  }
0x49: {  	v21 =	vmov s0;
	v11 =	vmovc v13;
	s0 =	smov.u32 s31;
	v29 =	vld [tilespmem:s30+$0xFFFFFFC0];
	[tilespmem:v19+s17+$0x0] =	vst.idx.msk $0xffff, v25;
	v25 =	vadd.s32 v2, v10;
	v16 =	vadd.f32 v16, v4  }
0x4a: {  	v31 =	vadd.s32 v3, v6;
	v13 =	vand.u32 $0x7E, v21;
	v19 =	vadd.f32 v22, v9;
	v30 =	vld [tilespmem:s28+$0xFFFFFFD0];
	[tilespmem:v17+s17+$0x0] =	vst.idx.msk $0xffff, v15  }
.Ltmp2:
0x4b: {  	v6 =	vmov v10;
	v21 =	vadd.s32 v0, v13;
	v17 =	vadd.f32 v23, v7;
	v15 =	vld [tilespmem:s26+$0xFFFFFFE0];
	[tilespmem:v18+s17+$0x0] =	vst.idx.msk $0xffff, v16;
	(pc) =	sbr.rel @p1 .LBB2_3-.Ltmp2, $4  }
0x4c: {  	s1 =	sadd.s32 $0x1, s31;
	s30 =	sadd.s32 $0x80, s30;
	v10 =	vmov v12;
	[tilespmem:v24+s17+$0x0] =	vst.idx.msk $0xffff, v19;
	v19 =	vadd.s32 v1, v11;
	v18 =	vadd.f32 v20, v5;
	v16 =	vld [tilespmem:s25+$0xFFFFFFF0];
	s25 =	smov.u32 s26  }
0x4d: {  	v12 =	vmovc v14;
	v20 =	vmov s1;
	s26 =	smov.u32 s28;
	s28 =	smov.u32 s29;
	s29 =	smov.u32 s30;
	v22 =	vld [tilespmem:s30+$0x0];
	[tilespmem:v26+s17+$0x0] =	vst.idx.msk $0xffff, v17;
	v17 =	vadd.s32 v2, v28;
	v27 =	vadd.f32 v27, v4  }
0x4e: {  	v14 =	vand.u32 $0x7F, v20;
	v26 =	vadd.f32 v29, v9;
	v23 =	vld [tilespmem:s28+$0x10];
	[tilespmem:v25+s17+$0x0] =	vst.idx.msk $0xffff, v18;
	v18 =	vadd.s32 v3, v8  }
0x4f: {  	s31 =	sadd.s32 $0x2, s31;
	v24 =	vadd.s32 v0, v14;
	v8 =	vmov v28;
	v25 =	vadd.f32 v30, v7;
	v20 =	vld [tilespmem:s26+$0x20];
	[tilespmem:v31+s17+$0x0] =	vst.idx.msk $0xffff, v27  }
0x50: {  	v27 =	vmov s0;
	v28 =	vld [tilespmem:s30+$0xFFFFFFC0]  }
0x51: {  	v27 =	vand.u32 $0x7E, v27  }
0x52: {  	v29 =	vadd.s32 v0, v27;
	_ =	sdelay $0x1  }
0x53: {  	v22 =	vadd.f32 v22, v9  }
0x54: {  	[tilespmem:v21+s17+$0x0] =	vst.idx.msk $0xffff, v26;
	v57 =	vadd.f32 v28, v9  }
0x55: {  	v21 =	vld [tilespmem:s28+$0xFFFFFFD0];
	[tilespmem:v24+s17+$0x0] =	vst.idx.msk $0xffff, v22  }
0x56: {  	v58 =	vadd.s32 v1, v12;
	v24 =	vld [tilespmem:s29+$0x10];
	[tilespmem:v29+s17+$0x0] =	vst.idx.msk $0xffff, v57  }
0x57: {  	v59 =	vadd.s32 v1, v13;
	v60 =	vld [tilespmem:s29+$0xFFFFFFD0]  }
0x58: {  	v61 =	vadd.s32 v1, v14  }
0x59: {  	v62 =	vadd.s32 v1, v27;
	v23 =	vadd.f32 v23, v7  }
0x5a: {  	[tilespmem:v19+s17+$0x0] =	vst.idx.msk $0xffff, v25;
	v63 =	vadd.f32 v21, v7  }
0x5b: {  	v30 =	vld [tilespmem:s26+$0xFFFFFFE0];
	[tilespmem:v58+s17+$0x0] =	vst.idx.msk $0xffff, v23;
	v31 =	vadd.f32 v24, v7  }
0x5c: {  	v32 =	vadd.s32 v2, v10;
	v33 =	vld [tilespmem:s28+$0x20];
	[tilespmem:v59+s17+$0x0] =	vst.idx.msk $0xffff, v63;
	v34 =	vadd.f32 v60, v7  }
0x5d: {  	v35 =	vadd.f32 v15, v5;
	v36 =	vadd.s32 v2, v11;
	v19 =	vld [tilespmem:s28+$0xFFFFFFE0];
	[tilespmem:v61+s17+$0x0] =	vst.idx.msk $0xffff, v31  }
0x5e: {  	v37 =	vadd.s32 v2, v12;
	v16 =	vadd.f32 v16, v4;
	v38 =	vld [tilespmem:s29+$0x20];
	[tilespmem:v62+s17+$0x0] =	vst.idx.msk $0xffff, v34  }
0x5f: {  	v40 =	vadd.s32 v2, v13;
	[tilespmem:v17+s17+$0x0] =	vst.idx.msk $0xffff, v35;
	v39 =	vadd.f32 v20, v5;
	v41 =	vld [tilespmem:s29+$0xFFFFFFE0]  }
0x60: {  	v42 =	vld [tilespmem:s25+$0x30];
	v44 =	vadd.s32 v2, v14;
	[tilespmem:v18+s17+$0x0] =	vst.idx.msk $0xffff, v16;
	v43 =	vadd.f32 v30, v5  }
0x61: {  	v47 =	vadd.s32 v2, v27;
	v45 =	vld [tilespmem:s25+$0xFFFFFFF0];
	[tilespmem:v32+s17+$0x0] =	vst.idx.msk $0xffff, v39;
	v46 =	vadd.f32 v33, v5  }
0x62: {  	v6 =	vadd.s32 v3, v6;
	v48 =	vld [tilespmem:s26+$0x30];
	[tilespmem:v36+s17+$0x0] =	vst.idx.msk $0xffff, v43;
	v49 =	vadd.f32 v19, v5  }
0x63: {  	v8 =	vadd.s32 v3, v8;
	v16 =	vld [tilespmem:s26+$0xFFFFFFF0];
	[tilespmem:v37+s17+$0x0] =	vst.idx.msk $0xffff, v46;
	v50 =	vadd.f32 v38, v5  }
0x64: {  	v51 =	vadd.s32 v3, v10;
	v52 =	vld [tilespmem:s28+$0x30];
	[tilespmem:v40+s17+$0x0] =	vst.idx.msk $0xffff, v49;
	v5 =	vadd.f32 v41, v5  }
0x65: {  	v54 =	vadd.s32 v3, v11;
	v53 =	vadd.f32 v42, v4;
	v15 =	vld [tilespmem:s28+$0xFFFFFFF0];
	[tilespmem:v44+s17+$0x0] =	vst.idx.msk $0xffff, v50  }
0x66: {  	v56 =	vadd.s32 v3, v12;
	v55 =	vadd.f32 v45, v4;
	v57 =	vld [tilespmem:s29+$0x30];
	[tilespmem:v47+s17+$0x0] =	vst.idx.msk $0xffff, v5  }
0x67: {  	v58 =	vadd.s32 v3, v13;
	[tilespmem:v6+s17+$0x0] =	vst.idx.msk $0xffff, v53;
	v5 =	vadd.f32 v48, v4;
	v59 =	vld [tilespmem:s29+$0xFFFFFFF0]  }
0x68: {  	[tilespmem:v8+s17+$0x0] =	vst.idx.msk $0xffff, v55;
	v61 =	vadd.s32 v3, v14;
	v60 =	vadd.f32 v16, v4  }
0x69: {  	v62 =	vadd.s32 v3, v27;
	[tilespmem:v51+s17+$0x0] =	vst.idx.msk $0xffff, v5;
	v5 =	vadd.f32 v52, v4  }
0x6a: {  	[tilespmem:v54+s17+$0x0] =	vst.idx.msk $0xffff, v60;
	v63 =	vadd.f32 v15, v4  }
0x6b: {  	s31 =	sshll.u32 s23, $0x13;
	[tilespmem:v56+s17+$0x0] =	vst.idx.msk $0xffff, v5;
	v5 =	vadd.f32 v57, v4  }
0x6c: {  	s0 =	sor.u32 s4, s31;
	[tilespmem:v58+s17+$0x0] =	vst.idx.msk $0xffff, v63;
	v4 =	vadd.f32 v59, v4  }
0x6d: {  	s0 =	sshrl.u32 s0, $0x3;
	[tilespmem:v61+s17+$0x0] =	vst.idx.msk $0xffff, v5  }
0x6e: {  	s1 =	simm.s32 $0xD600;
	s26 =	sadd.s32 s2, s0;
	[tilespmem:v62+s17+$0x0] =	vst.idx.msk $0xffff, v4  }
0x6f: {  	[hbm4b:s26+s3] =	stream.linear.scatter [tilespmem:s1], [sflag:$0x3], $0x80, $0x38;
	[tilespmem:$0x11A00] =	vst v63  }
0x70: {  	s9 =	simm.s32 $0xD688;
	s1 =	sadd.s32 $0x10, s26  }
0x71: {  	[hbm4b:s1+s3] =	stream.linear.scatter [tilespmem:s9], [sflag:$0x3], $0x80, $0x38;
	[tilespmem:$0x11A00] =	vst v63  }
0x72: {  	s30 =	simm.s32 $0xD798;
	s25 =	simm.s32 $0xD710;
	s29 =	sadd.s32 $0x20, s26  }
0x73: {  	[hbm4b:s29+s3] =	stream.linear.scatter [tilespmem:s25], [sflag:$0x3], $0x80, $0x38;
	[tilespmem:$0x11A00] =	vst v63  }
0x74: {  	s0 =	simm.s32 $0x2200;
	s31 =	sadd.s32 $0x30, s26;
	s28 =	sadd.s32 $0x70, s26  }
0x75: {  	[hbm4b:s31+s3] =	stream.linear.scatter [tilespmem:s30], [sflag:$0x3], $0x80, $0x38;
	[tilespmem:$0x11A00] =	vst v63  }
0x76: {  	s1 =	simm.s32 $0xD820;
	s9 =	sadd.s32 $0x40, s26;
	s25 =	simm.s32 $0xD8A8  }
0x77: {  	[hbm4b:s9+s3] =	stream.linear.scatter [tilespmem:s1], [sflag:$0x3], $0x80, $0x38;
	[tilespmem:$0x11A00] =	vst v63  }
0x78: {  	s29 =	sadd.s32 $0x50, s26;
	s30 =	simm.s32 $0xD930;
	s31 =	sadd.s32 $0x60, s26  }
0x79: {  	[hbm4b:s29+s3] =	stream.linear.scatter [tilespmem:s25], [sflag:$0x3], $0x80, $0x38;
	[tilespmem:$0x11A00] =	vst v63  }
0x7a: {  	s26 =	sadd.s32 $0x1000, s26;
	s1 =	simm.s32 $0xD9B8;
	s25 =	simm.s32 $0x440  }
0x7b: {  	[hbm4b:s31+s3] =	stream.linear.scatter [tilespmem:s30], [sflag:$0x3], $0x80, $0x38;
	[tilespmem:$0x11A00] =	vst v63  }
.LBB2_5:
0x7c: {  	[hbm4b:s28+s3] =	stream.linear.scatter [tilespmem:s1], [sflag:$0x3], $0x80, $0x38;
	[tilespmem:$0x11A00] =	vst v63  }
0x7d: {  	s1 =	smov.u32 s25;
	s25 =	smov.u32 s0  }
0x7e: {  	s29 =	sadd.s32 $0x1100, s0;
	s25 =	sshra.s32 s25, $0x2;
	s28 =	sadd.s32 $0xD600, s1  }
0x7f: {  	[hbm4b:s26+s3] =	stream.linear.scatter [tilespmem:s28], [sflag:$0x3], $0x80, $0x38;
	[tilespmem:$0x11A00] =	vst v63  }
0x80: {  	p1 =	sne.s32 s0, $0x7700;
	s0 =	sadd.s32 $0xD688, s1;
	s28 =	sadd.s32 $0x10, s26  }
0x81: {  	[hbm4b:s28+s3] =	stream.linear.scatter [tilespmem:s0], [sflag:$0x3], $0x80, $0x38;
	[tilespmem:$0x11A00] =	vst v63  }
0x82: {  	s0 =	sadd.s32 $0xD710, s1;
	s28 =	sadd.s32 $0x20, s26  }
0x83: {  	[hbm4b:s28+s3] =	stream.linear.scatter [tilespmem:s0], [sflag:$0x3], $0x80, $0x38;
	[tilespmem:$0x11A00] =	vst v63  }
0x84: {  	s0 =	sadd.s32 $0xD798, s1;
	s28 =	sadd.s32 $0x30, s26  }
0x85: {  	[hbm4b:s28+s3] =	stream.linear.scatter [tilespmem:s0], [sflag:$0x3], $0x80, $0x38;
	[tilespmem:$0x11A00] =	vst v63  }
0x86: {  	s0 =	sadd.s32 $0xD820, s1;
	s28 =	sadd.s32 $0x40, s26  }
0x87: {  	[hbm4b:s28+s3] =	stream.linear.scatter [tilespmem:s0], [sflag:$0x3], $0x80, $0x38;
	[tilespmem:$0x11A00] =	vst v63  }
.Ltmp3:
0x88: {  	s0 =	sadd.s32 $0xD8A8, s1;
	s28 =	sadd.s32 $0x50, s26;
	(pc) =	sbr.rel @p1 .LBB2_5-.Ltmp3, $4  }
0x89: {  	[hbm4b:s28+s3] =	stream.linear.scatter [tilespmem:s0], [sflag:$0x3], $0x80, $0x38;
	[tilespmem:$0x11A00] =	vst v63  }
0x8a: {  	s0 =	sadd.s32 $0xD930, s1;
	s28 =	sadd.s32 $0x60, s26;
	s1 =	sadd.s32 $0xD9B8, s1  }
0x8b: {  	[hbm4b:s28+s3] =	stream.linear.scatter [tilespmem:s0], [sflag:$0x3], $0x80, $0x38;
	[tilespmem:$0x11A00] =	vst v63  }
0x8c: {  	s28 =	sadd.s32 $0x70, s26;
	s26 =	sadd.s32 $0x1000, s26;
	s0 =	smov.u32 s29  }
0x8d: {  	[hbm4b:s28+s3] =	stream.linear.scatter [tilespmem:s1], [sflag:$0x3], $0x80, $0x38;
	[tilespmem:$0x11A00] =	vst v63  }
0x8e: {  	s0 =	sadd.s32 $0xD600, s25  }
0x8f: {  	[hbm4b:s26+s3] =	stream.linear.scatter [tilespmem:s0], [sflag:$0x3], $0x80, $0x38;
	[tilespmem:$0x11A00] =	vst v63  }
0x90: {  	s1 =	sadd.s32 $0xD688, s25;
	s9 =	sadd.s32 $0x10, s26  }
0x91: {  	[hbm4b:s9+s3] =	stream.linear.scatter [tilespmem:s1], [sflag:$0x3], $0x80, $0x38;
	[tilespmem:$0x11A00] =	vst v63  }
0x92: {  	s1 =	sadd.s32 $0xD710, s25;
	s9 =	sadd.s32 $0x20, s26  }
0x93: {  	[hbm4b:s9+s3] =	stream.linear.scatter [tilespmem:s1], [sflag:$0x3], $0x80, $0x38;
	[tilespmem:$0x11A00] =	vst v63  }
0x94: {  	s1 =	sadd.s32 $0xD798, s25;
	s9 =	sadd.s32 $0x30, s26  }
0x95: {  	[hbm4b:s9+s3] =	stream.linear.scatter [tilespmem:s1], [sflag:$0x3], $0x80, $0x38;
	[tilespmem:$0x11A00] =	vst v63  }
0x96: {  	s1 =	sadd.s32 $0xD820, s25;
	s9 =	sadd.s32 $0x40, s26  }
0x97: {  	[hbm4b:s9+s3] =	stream.linear.scatter [tilespmem:s1], [sflag:$0x3], $0x80, $0x38;
	[tilespmem:$0x11A00] =	vst v63  }
0x98: {  	p1 =	seq.s32 s23, $0x63;
	s1 =	sadd.s32 $0xD8A8, s25;
	s9 =	sadd.s32 $0x50, s26  }
0x99: {  	[hbm4b:s9+s3] =	stream.linear.scatter [tilespmem:s1], [sflag:$0x3], $0x80, $0x38;
	[tilespmem:$0x11A00] =	vst v63  }
0x9a: {  	s0 =	sshll.u32 @!p1 s24, $0x7;
	s1 =	sadd.s32 $0xD930, s25;
	s9 =	sadd.s32 $0x60, s26  }
0x9b: {  	[hbm4b:s9+s3] =	stream.linear.scatter [tilespmem:s1], [sflag:$0x3], $0x80, $0x38;
	[tilespmem:$0x11A00] =	vst v63  }
0x9c: {  	s0 =	sadd.s32 @!p1 $0x100, s0;
	s9 =	sadd.s32 $0xD9B8, s25;
	s25 =	sadd.s32 $0x70, s26  }
0x9d: {  	[hbm4b:s25+s3] =	stream.linear.scatter [tilespmem:s9], [sflag:$0x3], $0x80, $0x38;
	[tilespmem:$0x11A00] =	vst v63  }
0x9e: {  	s0 =	sand.u32 @!p1 $0xFF00, s0;
	s1 =	simm.s32 @!p1 $0x80;
	s25 =	simm.s32 @!p1 $0x9600  }
0x9f: {  	[tilespmem:s25], [sflag:$0x1] =	stream.indirect.gather @!p1 [hbm4b:s5+s1], $0x40, s0, s1, $0xb8;
	[tilespmem:$0x11A00] =	vst v63  }
0xa0: {  	_ =	swait.ge [sflag:s18], $0x2000  }
0xa1: {  	[sflag:s18] =	ssyncset.done $0x0  }
0xa2: {  	s0 =	simm.s32 @!p0 $0x4;
	[sflag:s18] =	ssyncadd.s32 $0xFFFFE000  }
0xa3: {  	s25 =	sor.u32 $0x1, s24;
	_ =	swait.ge @!p0 [sflag:s0], $0x2000  }
0xa4: {  	s26 =	sshll.u32 s25, $0x6;
	[sflag:s0] =	ssyncset.done @!p0 $0x0  }
0xa5: {  	[sflag:s0] =	ssyncadd.s32 @!p0 $0xFFFFE000;
	s0 =	sand.u32 $0x3FFFFFC0, s26  }
0xa6: {  	s30 =	simm.s32 $0xB640;
	s9 =	simm.s32 $0x1;
	v9 =	vld [tilespmem:s0+$0x6400]  }
0xa7: {  	v4 =	vmov s9;
	v6 =	vld [tilespmem:s30+$0x0]  }
0xa8: {  	v14 =	vand.u32 $0x7F, v4  }
0xa9: {  	v8 =	vadd.s32 v0, v14  }
0xaa: {  	s26 =	simm.s32 $0x0;
	v7 =	vld [tilespmem:s0+$0x6410]  }
0xab: {  	v4 =	vmov s26;
	v10 =	vld [tilespmem:s30+$0xFFFFFFC0]  }
0xac: {  	v5 =	vld [tilespmem:s0+$0x6420];
	v18 =	vand.u32 $0x7E, v4;
	v6 =	vadd.f32 v6, v9  }
0xad: {  	s9 =	simm.s32 $0x3;
	s26 =	simm.s32 $0xB6C0;
	v4 =	vld [tilespmem:s0+$0x6430];
	v11 =	vadd.s32 v0, v18  }
0xae: {  	v12 =	vld [tilespmem:s26+$0x0];
	[tilespmem:v8+s19+$0x0] =	vst.idx.msk $0xffff, v6;
	v6 =	vmov s9  }
0xaf: {  	v6 =	vand.u32 $0x7F, v6;
	v13 =	vld [tilespmem:s30+$0x10]  }
0xb0: {  	v8 =	vadd.f32 v10, v9;
	v10 =	vadd.s32 v0, v6  }
0xb1: {  	s1 =	simm.s32 $0x2;
	v15 =	vadd.s32 v1, v14  }
0xb2: {  	[tilespmem:v11+s19+$0x0] =	vst.idx.msk $0xffff, v8;
	v8 =	vmov s1;
	v11 =	vld [tilespmem:s26+$0xFFFFFFC0]  }
0xb3: {  	v12 =	vadd.f32 v12, v9;
	v8 =	vand.u32 $0x7E, v8;
	v16 =	vld [tilespmem:s30+$0xFFFFFFD0]  }
0xb4: {  	s28 =	simm.s32 $0xB740;
	s9 =	simm.s32 $0x5;
	v17 =	vadd.s32 v0, v8;
	v13 =	vadd.f32 v13, v7  }
0xb5: {  	v19 =	vld [tilespmem:s28+$0x0];
	[tilespmem:v10+s19+$0x0] =	vst.idx.msk $0xffff, v12;
	v12 =	vadd.s32 v1, v18;
	v10 =	vmov s9  }
0xb6: {  	[tilespmem:v15+s19+$0x0] =	vst.idx.msk $0xffff, v13;
	v10 =	vand.u32 $0x7F, v10;
	v13 =	vld [tilespmem:s26+$0x10]  }
0xb7: {  	v11 =	vadd.f32 v11, v9;
	v15 =	vadd.s32 v0, v10;
	v20 =	vld [tilespmem:s30+$0x20]  }
0xb8: {  	s1 =	simm.s32 $0x4;
	v21 =	vadd.s32 v1, v6;
	v16 =	vadd.f32 v16, v7  }
0xb9: {  	v22 =	vadd.s32 v2, v14;
	[tilespmem:v17+s19+$0x0] =	vst.idx.msk $0xffff, v11;
	v11 =	vmov s1;
	v17 =	vld [tilespmem:s28+$0xFFFFFFC0]  }
0xba: {  	v11 =	vand.u32 $0x7E, v11;
	[tilespmem:v12+s19+$0x0] =	vst.idx.msk $0xffff, v16;
	v12 =	vadd.f32 v19, v9;
	v16 =	vld [tilespmem:s26+$0xFFFFFFD0]  }
0xbb: {  	s29 =	simm.s32 $0xB7C0;
	s9 =	simm.s32 $0x7;
	v19 =	vadd.s32 v0, v11;
	v13 =	vadd.f32 v13, v7;
	v23 =	vld [tilespmem:s30+$0xFFFFFFE0]  }
0xbc: {  	v24 =	vld [tilespmem:s29+$0x0];
	[tilespmem:v15+s19+$0x0] =	vst.idx.msk $0xffff, v12;
	v15 =	vadd.s32 v1, v8;
	v20 =	vadd.f32 v20, v5;
	v12 =	vmov s9  }
0xbd: {  	[tilespmem:v21+s19+$0x0] =	vst.idx.msk $0xffff, v13;
	v21 =	vadd.s32 v2, v18;
	v12 =	vand.u32 $0x7F, v12;
	v25 =	vld [tilespmem:s28+$0x10]  }
0xbe: {  	v13 =	vadd.f32 v17, v9;
	[tilespmem:v22+s19+$0x0] =	vst.idx.msk $0xffff, v20;
	v17 =	vadd.s32 v0, v12;
	v20 =	vld [tilespmem:s26+$0x20]  }
0xbf: {  	s1 =	simm.s32 $0x6;
	v26 =	vadd.s32 v1, v10;
	v16 =	vadd.f32 v16, v7;
	v27 =	vld [tilespmem:s30+$0x30]  }
0xc0: {  	v28 =	vadd.s32 v2, v6;
	[tilespmem:v19+s19+$0x0] =	vst.idx.msk $0xffff, v13;
	v13 =	vmov s1;
	v19 =	vadd.f32 v23, v5;
	v23 =	vld [tilespmem:s29+$0xFFFFFFC0]  }
0xc1: {  	v30 =	vadd.s32 v3, v14;
	v13 =	vand.u32 $0x7E, v13;
	v29 =	vld [tilespmem:s28+$0xFFFFFFD0];
	[tilespmem:v15+s19+$0x0] =	vst.idx.msk $0xffff, v16;
	v16 =	vadd.f32 v24, v9  }
0xc2: {  	[tilespmem:v21+s19+$0x0] =	vst.idx.msk $0xffff, v19;
	v21 =	vadd.s32 v0, v13;
	v14 =	vadd.f32 v25, v7;
	v15 =	vld [tilespmem:s26+$0xFFFFFFE0]  }
0xc3: {  	s31 =	simm.s32 $0xB840;
	s9 =	simm.s32 $0x9;
	v19 =	vadd.s32 v1, v11;
	[tilespmem:v17+s19+$0x0] =	vst.idx.msk $0xffff, v16;
	v20 =	vadd.f32 v20, v5;
	v16 =	vld [tilespmem:s30+$0xFFFFFFF0]  }
0xc4: {  	v22 =	vld [tilespmem:s31+$0x0];
	v24 =	vmov s9;
	v17 =	vadd.s32 v2, v8;
	[tilespmem:v26+s19+$0x0] =	vst.idx.msk $0xffff, v14;
	v27 =	vadd.f32 v27, v4  }
0xc5: {  	v18 =	vadd.s32 v3, v18;
	v14 =	vand.u32 $0x7F, v24;
	v26 =	vadd.f32 v23, v9;
	v23 =	vld [tilespmem:s29+$0x10];
	[tilespmem:v28+s19+$0x0] =	vst.idx.msk $0xffff, v20  }
0xc6: {  	s0 =	simm.s32 $0xA;
	s1 =	simm.s32 $0x8;
	s30 =	simm.s32 $0xB840;
	v24 =	vadd.s32 v0, v14;
	v25 =	vadd.f32 v29, v7;
	v20 =	vld [tilespmem:s28+$0x20];
	[tilespmem:v30+s19+$0x0] =	vst.idx.msk $0xffff, v27  }
.LBB2_7:
0xc7: {  	p0 =	slt.u32 s0, $0x7E;
	[tilespmem:v21+s19+$0x0] =	vst.idx.msk $0xffff, v26;
	v26 =	vadd.s32 v1, v12;
	v15 =	vadd.f32 v15, v5;
	v27 =	vld [tilespmem:s26+$0x30];
	v28 =	vmov v11  }
0xc8: {  	v21 =	vmov s1;
	v11 =	vmovc v13;
	s1 =	smov.u32 s0;
	v29 =	vld [tilespmem:s31+$0xFFFFFFC0];
	[tilespmem:v19+s19+$0x0] =	vst.idx.msk $0xffff, v25;
	v25 =	vadd.s32 v2, v10;
	v16 =	vadd.f32 v16, v4  }
0xc9: {  	v31 =	vadd.s32 v3, v6;
	v13 =	vand.u32 $0x7E, v21;
	v19 =	vadd.f32 v22, v9;
	v30 =	vld [tilespmem:s29+$0xFFFFFFD0];
	[tilespmem:v17+s19+$0x0] =	vst.idx.msk $0xffff, v15  }
.Ltmp4:
0xca: {  	v6 =	vmov v10;
	v21 =	vadd.s32 v0, v13;
	v17 =	vadd.f32 v23, v7;
	v15 =	vld [tilespmem:s28+$0xFFFFFFE0];
	[tilespmem:v18+s19+$0x0] =	vst.idx.msk $0xffff, v16;
	(pc) =	sbr.rel @p0 .LBB2_7-.Ltmp4, $4  }
0xcb: {  	s9 =	sadd.s32 $0x1, s0;
	s31 =	sadd.s32 $0x80, s31;
	v10 =	vmov v12;
	[tilespmem:v24+s19+$0x0] =	vst.idx.msk $0xffff, v19;
	v19 =	vadd.s32 v1, v11;
	v18 =	vadd.f32 v20, v5;
	v16 =	vld [tilespmem:s26+$0xFFFFFFF0];
	s26 =	smov.u32 s28  }
0xcc: {  	v12 =	vmovc v14;
	v20 =	vmov s9;
	s28 =	smov.u32 s29;
	s29 =	smov.u32 s30;
	s30 =	smov.u32 s31;
	v22 =	vld [tilespmem:s31+$0x0];
	[tilespmem:v26+s19+$0x0] =	vst.idx.msk $0xffff, v17;
	v17 =	vadd.s32 v2, v28;
	v27 =	vadd.f32 v27, v4  }
0xcd: {  	v14 =	vand.u32 $0x7F, v20;
	v26 =	vadd.f32 v29, v9;
	v23 =	vld [tilespmem:s29+$0x10];
	[tilespmem:v25+s19+$0x0] =	vst.idx.msk $0xffff, v18;
	v18 =	vadd.s32 v3, v8  }
0xce: {  	s0 =	sadd.s32 $0x2, s0;
	v24 =	vadd.s32 v0, v14;
	v8 =	vmov v28;
	v25 =	vadd.f32 v30, v7;
	v20 =	vld [tilespmem:s28+$0x20];
	[tilespmem:v31+s19+$0x0] =	vst.idx.msk $0xffff, v27  }
0xcf: {  	v27 =	vmov s1;
	v28 =	vld [tilespmem:s31+$0xFFFFFFC0]  }
0xd0: {  	v27 =	vand.u32 $0x7E, v27  }
0xd1: {  	v29 =	vadd.s32 v0, v27;
	_ =	sdelay $0x1  }
0xd2: {  	v22 =	vadd.f32 v22, v9  }
0xd3: {  	[tilespmem:v21+s19+$0x0] =	vst.idx.msk $0xffff, v26;
	v57 =	vadd.f32 v28, v9  }
0xd4: {  	v21 =	vld [tilespmem:s29+$0xFFFFFFD0];
	[tilespmem:v24+s19+$0x0] =	vst.idx.msk $0xffff, v22  }
0xd5: {  	v58 =	vadd.s32 v1, v12;
	v24 =	vld [tilespmem:s30+$0x10];
	[tilespmem:v29+s19+$0x0] =	vst.idx.msk $0xffff, v57  }
0xd6: {  	v59 =	vadd.s32 v1, v13;
	v60 =	vld [tilespmem:s30+$0xFFFFFFD0]  }
0xd7: {  	v61 =	vadd.s32 v1, v14  }
0xd8: {  	v62 =	vadd.s32 v1, v27;
	v23 =	vadd.f32 v23, v7  }
0xd9: {  	[tilespmem:v19+s19+$0x0] =	vst.idx.msk $0xffff, v25;
	v63 =	vadd.f32 v21, v7  }
0xda: {  	v30 =	vld [tilespmem:s28+$0xFFFFFFE0];
	[tilespmem:v58+s19+$0x0] =	vst.idx.msk $0xffff, v23;
	v31 =	vadd.f32 v24, v7  }
0xdb: {  	v32 =	vadd.s32 v2, v10;
	v33 =	vld [tilespmem:s29+$0x20];
	[tilespmem:v59+s19+$0x0] =	vst.idx.msk $0xffff, v63;
	v34 =	vadd.f32 v60, v7  }
0xdc: {  	v35 =	vadd.f32 v15, v5;
	v36 =	vadd.s32 v2, v11;
	v19 =	vld [tilespmem:s29+$0xFFFFFFE0];
	[tilespmem:v61+s19+$0x0] =	vst.idx.msk $0xffff, v31  }
0xdd: {  	v37 =	vadd.s32 v2, v12;
	v16 =	vadd.f32 v16, v4;
	v38 =	vld [tilespmem:s30+$0x20];
	[tilespmem:v62+s19+$0x0] =	vst.idx.msk $0xffff, v34  }
0xde: {  	v40 =	vadd.s32 v2, v13;
	[tilespmem:v17+s19+$0x0] =	vst.idx.msk $0xffff, v35;
	v39 =	vadd.f32 v20, v5;
	v41 =	vld [tilespmem:s30+$0xFFFFFFE0]  }
0xdf: {  	v42 =	vld [tilespmem:s26+$0x30];
	v44 =	vadd.s32 v2, v14;
	[tilespmem:v18+s19+$0x0] =	vst.idx.msk $0xffff, v16;
	v43 =	vadd.f32 v30, v5  }
0xe0: {  	v47 =	vadd.s32 v2, v27;
	v45 =	vld [tilespmem:s26+$0xFFFFFFF0];
	[tilespmem:v32+s19+$0x0] =	vst.idx.msk $0xffff, v39;
	v46 =	vadd.f32 v33, v5  }
0xe1: {  	v6 =	vadd.s32 v3, v6;
	v48 =	vld [tilespmem:s28+$0x30];
	[tilespmem:v36+s19+$0x0] =	vst.idx.msk $0xffff, v43;
	v49 =	vadd.f32 v19, v5  }
0xe2: {  	v8 =	vadd.s32 v3, v8;
	v16 =	vld [tilespmem:s28+$0xFFFFFFF0];
	[tilespmem:v37+s19+$0x0] =	vst.idx.msk $0xffff, v46;
	v50 =	vadd.f32 v38, v5  }
0xe3: {  	v51 =	vadd.s32 v3, v10;
	v52 =	vld [tilespmem:s29+$0x30];
	[tilespmem:v40+s19+$0x0] =	vst.idx.msk $0xffff, v49;
	v5 =	vadd.f32 v41, v5  }
0xe4: {  	v54 =	vadd.s32 v3, v11;
	v53 =	vadd.f32 v42, v4;
	v15 =	vld [tilespmem:s29+$0xFFFFFFF0];
	[tilespmem:v44+s19+$0x0] =	vst.idx.msk $0xffff, v50  }
0xe5: {  	v56 =	vadd.s32 v3, v12;
	v55 =	vadd.f32 v45, v4;
	v57 =	vld [tilespmem:s30+$0x30];
	[tilespmem:v47+s19+$0x0] =	vst.idx.msk $0xffff, v5  }
0xe6: {  	v58 =	vadd.s32 v3, v13;
	[tilespmem:v6+s19+$0x0] =	vst.idx.msk $0xffff, v53;
	v5 =	vadd.f32 v48, v4;
	v59 =	vld [tilespmem:s30+$0xFFFFFFF0]  }
0xe7: {  	[tilespmem:v8+s19+$0x0] =	vst.idx.msk $0xffff, v55;
	v61 =	vadd.s32 v3, v14;
	v60 =	vadd.f32 v16, v4  }
0xe8: {  	v62 =	vadd.s32 v3, v27;
	[tilespmem:v51+s19+$0x0] =	vst.idx.msk $0xffff, v5;
	v5 =	vadd.f32 v52, v4  }
0xe9: {  	[tilespmem:v54+s19+$0x0] =	vst.idx.msk $0xffff, v60;
	v63 =	vadd.f32 v15, v4  }
0xea: {  	s0 =	sshll.u32 s25, $0x12;
	[tilespmem:v56+s19+$0x0] =	vst.idx.msk $0xffff, v5;
	v5 =	vadd.f32 v57, v4  }
0xeb: {  	s0 =	sor.u32 s4, s0;
	[tilespmem:v58+s19+$0x0] =	vst.idx.msk $0xffff, v63;
	v4 =	vadd.f32 v59, v4  }
0xec: {  	s0 =	sshrl.u32 s0, $0x3;
	[tilespmem:v61+s19+$0x0] =	vst.idx.msk $0xffff, v5  }
0xed: {  	s31 =	simm.s32 $0xF800;
	s9 =	sadd.s32 s2, s0;
	[tilespmem:v62+s19+$0x0] =	vst.idx.msk $0xffff, v4  }
0xee: {  	[hbm4b:s9+s3] =	stream.linear.scatter [tilespmem:s31], [sflag:$0x4], $0x80, $0x38;
	[tilespmem:$0x11A00] =	vst v63  }
0xef: {  	s1 =	simm.s32 $0xF888;
	s25 =	sadd.s32 $0x10, s9  }
0xf0: {  	[hbm4b:s25+s3] =	stream.linear.scatter [tilespmem:s1], [sflag:$0x4], $0x80, $0x38;
	[tilespmem:$0x11A00] =	vst v63  }
0xf1: {  	s26 =	simm.s32 $0xF910;
	s0 =	simm.s32 $0x2200;
	s29 =	sadd.s32 $0x20, s9  }
0xf2: {  	[hbm4b:s29+s3] =	stream.linear.scatter [tilespmem:s26], [sflag:$0x4], $0x80, $0x38;
	[tilespmem:$0x11A00] =	vst v63  }
0xf3: {  	s28 =	sadd.s32 $0x70, s9;
	s30 =	simm.s32 $0xF998;
	s31 =	sadd.s32 $0x30, s9  }
0xf4: {  	[hbm4b:s31+s3] =	stream.linear.scatter [tilespmem:s30], [sflag:$0x4], $0x80, $0x38;
	[tilespmem:$0x11A00] =	vst v63  }
0xf5: {  	s1 =	simm.s32 $0xFA20;
	s25 =	sadd.s32 $0x40, s9;
	s26 =	simm.s32 $0xFAA8  }
0xf6: {  	[hbm4b:s25+s3] =	stream.linear.scatter [tilespmem:s1], [sflag:$0x4], $0x80, $0x38;
	[tilespmem:$0x11A00] =	vst v63  }
0xf7: {  	s29 =	sadd.s32 $0x50, s9;
	s30 =	simm.s32 $0xFB30;
	s31 =	sadd.s32 $0x60, s9  }
0xf8: {  	[hbm4b:s29+s3] =	stream.linear.scatter [tilespmem:s26], [sflag:$0x4], $0x80, $0x38;
	[tilespmem:$0x11A00] =	vst v63  }
0xf9: {  	s25 =	simm.s32 $0x440;
	s1 =	simm.s32 $0xFBB8;
	s26 =	sadd.s32 $0x1000, s9  }
0xfa: {  	[hbm4b:s31+s3] =	stream.linear.scatter [tilespmem:s30], [sflag:$0x4], $0x80, $0x38;
	[tilespmem:$0x11A00] =	vst v63  }
.LBB2_9:
0xfb: {  	[hbm4b:s28+s3] =	stream.linear.scatter [tilespmem:s1], [sflag:$0x4], $0x80, $0x38;
	[tilespmem:$0x11A00] =	vst v63  }
0xfc: {  	s1 =	smov.u32 s25;
	s9 =	smov.u32 s0  }
0xfd: {  	s25 =	sshra.s32 s9, $0x2;
	s9 =	sadd.s32 $0x1100, s0;
	s28 =	sadd.s32 $0xF800, s1  }
0xfe: {  	[hbm4b:s26+s3] =	stream.linear.scatter [tilespmem:s28], [sflag:$0x4], $0x80, $0x38;
	[tilespmem:$0x11A00] =	vst v63  }
0xff: {  	p0 =	sne.s32 s0, $0x7700;
	s0 =	sadd.s32 $0xF888, s1;
	s28 =	sadd.s32 $0x10, s26  }
0x100: {  	[hbm4b:s28+s3] =	stream.linear.scatter [tilespmem:s0], [sflag:$0x4], $0x80, $0x38;
	[tilespmem:$0x11A00] =	vst v63  }
0x101: {  	s0 =	sadd.s32 $0xF910, s1;
	s28 =	sadd.s32 $0x20, s26  }
0x102: {  	[hbm4b:s28+s3] =	stream.linear.scatter [tilespmem:s0], [sflag:$0x4], $0x80, $0x38;
	[tilespmem:$0x11A00] =	vst v63  }
0x103: {  	s0 =	sadd.s32 $0xF998, s1;
	s28 =	sadd.s32 $0x30, s26  }
0x104: {  	[hbm4b:s28+s3] =	stream.linear.scatter [tilespmem:s0], [sflag:$0x4], $0x80, $0x38;
	[tilespmem:$0x11A00] =	vst v63  }
0x105: {  	s0 =	sadd.s32 $0xFA20, s1;
	s28 =	sadd.s32 $0x40, s26  }
0x106: {  	[hbm4b:s28+s3] =	stream.linear.scatter [tilespmem:s0], [sflag:$0x4], $0x80, $0x38;
	[tilespmem:$0x11A00] =	vst v63  }
.Ltmp5:
0x107: {  	s0 =	sadd.s32 $0xFAA8, s1;
	s28 =	sadd.s32 $0x50, s26;
	(pc) =	sbr.rel @p0 .LBB2_9-.Ltmp5, $4  }
0x108: {  	[hbm4b:s28+s3] =	stream.linear.scatter [tilespmem:s0], [sflag:$0x4], $0x80, $0x38;
	[tilespmem:$0x11A00] =	vst v63  }
0x109: {  	s0 =	sadd.s32 $0xFB30, s1;
	s28 =	sadd.s32 $0x60, s26;
	s1 =	sadd.s32 $0xFBB8, s1  }
0x10a: {  	[hbm4b:s28+s3] =	stream.linear.scatter [tilespmem:s0], [sflag:$0x4], $0x80, $0x38;
	[tilespmem:$0x11A00] =	vst v63  }
0x10b: {  	s28 =	sadd.s32 $0x70, s26;
	s26 =	sadd.s32 $0x1000, s26;
	s0 =	smov.u32 s9  }
0x10c: {  	[hbm4b:s28+s3] =	stream.linear.scatter [tilespmem:s1], [sflag:$0x4], $0x80, $0x38;
	[tilespmem:$0x11A00] =	vst v63  }
0x10d: {  	s0 =	sadd.s32 $0xF800, s25  }
0x10e: {  	[hbm4b:s26+s3] =	stream.linear.scatter [tilespmem:s0], [sflag:$0x4], $0x80, $0x38;
	[tilespmem:$0x11A00] =	vst v63  }
0x10f: {  	s30 =	sadd.s32 $0xF888, s25;
	s31 =	sadd.s32 $0x10, s26  }
0x110: {  	[hbm4b:s31+s3] =	stream.linear.scatter [tilespmem:s30], [sflag:$0x4], $0x80, $0x38;
	[tilespmem:$0x11A00] =	vst v63  }
0x111: {  	s1 =	sadd.s32 $0xF910, s25;
	s9 =	sadd.s32 $0x20, s26  }
0x112: {  	[hbm4b:s9+s3] =	stream.linear.scatter [tilespmem:s1], [sflag:$0x4], $0x80, $0x38;
	[tilespmem:$0x11A00] =	vst v63  }
0x113: {  	s28 =	sadd.s32 $0xF998, s25;
	s29 =	sadd.s32 $0x30, s26  }
0x114: {  	[hbm4b:s29+s3] =	stream.linear.scatter [tilespmem:s28], [sflag:$0x4], $0x80, $0x38;
	[tilespmem:$0x11A00] =	vst v63  }
0x115: {  	s30 =	sadd.s32 $0xFA20, s25;
	s31 =	sadd.s32 $0x40, s26  }
0x116: {  	[hbm4b:s31+s3] =	stream.linear.scatter [tilespmem:s30], [sflag:$0x4], $0x80, $0x38;
	[tilespmem:$0x11A00] =	vst v63  }
0x117: {  	s1 =	sadd.s32 $0xFAA8, s25;
	s9 =	sadd.s32 $0x50, s26  }
0x118: {  	[hbm4b:s9+s3] =	stream.linear.scatter [tilespmem:s1], [sflag:$0x4], $0x80, $0x38;
	[tilespmem:$0x11A00] =	vst v63  }
.Ltmp6:
0x119: {  	_ = 	snop;
	(pc) =	sbr.rel @p1 .LBB2_12-.Ltmp6, $4  }
0x11a: {  	s28 =	sadd.s32 $0xFB30, s25;
	s29 =	sadd.s32 $0x60, s26  }
0x11b: {  	[hbm4b:s29+s3] =	stream.linear.scatter [tilespmem:s28], [sflag:$0x4], $0x80, $0x38;
	[tilespmem:$0x11A00] =	vst v63  }
0x11c: {  	s30 =	sadd.s32 $0xFBB8, s25;
	s31 =	sadd.s32 $0x70, s26  }
0x11d: {  	[hbm4b:s31+s3] =	stream.linear.scatter [tilespmem:s30], [sflag:$0x4], $0x80, $0x38;
	[tilespmem:$0x11A00] =	vst v63  }
.Ltmp7:
0x11e: {  	(pc) =	sbr.rel .LBB2_2-.Ltmp7, $4  }
0x11f: {  	s0 =	sshll.u32 s24, $0x7  }
0x120: {  	s0 =	sadd.s32 $0x180, s0  }
0x121: {  	s23 =	sadd.s32 $0x1, s23;
	s0 =	sand.u32 $0xFF80, s0  }
0x122: {  	[tilespmem:s15], [sflag:$0x2] =	stream.indirect.gather [hbm4b:s5+s13], $0x40, s0, s13, $0xb8;
	[tilespmem:$0x11A00] =	vst v63  }
.LBB2_13:
0x123: {  	_ =	sfence.sel $0x180000  }
0x124: {  	[bflag:$0x0] =	sbarrier.arrive $0xFFFF  }
0x125: {  	_ =	strace $0x90000047  }
0x126: {  	s0 =	stileid.u32;
	[bflag:$0x2] =	sbarrier.arrive $0xFFFF  }
0x127: {  	p0 =	sne.s32 s0, $0x0;
	s0 =	rddreg [dreg:$0x3]  }
0x128: {  	s0 =	sadd.s32 @!p0 $0x100000, s0  }
0x129: {  	[sflag:s0] =	ssyncadd.tile.s32 @!p0 $0x1;
	_ =	shalt  }
.Lfunc_end2:
_tile_overlayer_lowered:
.L_overlay_start_2:
0x12a: {  	(tag) =	ssettag $0x2  }
0x12b: {  	s0 =	rddreg [dreg:$0x0];
	s2 =	stileid.u32  }
0x12c: {  	s1 =	rddreg [dreg:$0x1];
	p0 =	sne.s32 s2, $0x0  }
0x12d: {  	s3 =	rddreg [dreg:$0x2];
	[bflag:$0x3] =	sbarrier.arrive $0xFFFF;
	s2 =	simm.s32 @!p0 $0x1C05  }
0x12e: {  	[timem:s3], [sflag:s2] =	dma.local @!p0 [hbm:s0], s1  }
0x12f: {  	s0 =	simm.s32 @!p0 $0x5  }
0x130: {  	_ =	swait.ge @!p0 [sflag:s0], s1  }
0x131: {  	s1 =	ssub.s32 @!p0 $0x0, s1;
	[sflag:s0] =	ssyncset.done @!p0 $0x0  }
0x132: {  	[sflag:s0] =	ssyncadd.s32 @!p0 s1  }
0x133: {  	[bflag:$0x3] =	sbarrier.arrive $0xFFFF  }
0x134: {  	_ =	shalt  }

</sc_bundles>
